<compile_context>
chip_gen: v7x
topology: tpu7x:2x2x1
jax: 0.10.2.dev20260603
libtpu: 0.0.44.dev20260713+nightly
codegen_flags: <defaults>
</compile_context>

<pallas_src>
import functools

import jax
import jax.numpy as jnp
from jax import lax
from jax.experimental import pallas as pl
from jax.experimental.pallas import tpu as pltpu
from jax.experimental.pallas import tpu_sc as plsc

N_NODES = 10000
N_EDGES = 320000
D = 128

NUM_CORES = 2
NUM_SUBCORES = 16
NUM_WORKERS = NUM_CORES * NUM_SUBCORES
CHUNK = 128
G_CHUNKS = N_EDGES // CHUNK
BASE_CHUNKS = G_CHUNKS // NUM_WORKERS
G_PAD = 2560
MAX_CHUNKS = 80
N_PAD = 10240
ROWS_PER_SUBCORE = N_PAD // NUM_SUBCORES

ROW_BLOCK = 1000
N_ROW_BLOCKS = N_NODES // ROW_BLOCK


def _mm_relu_body(x_ref, w_ref, o_ref):
    o_ref[...] = jnp.maximum(
        jnp.dot(x_ref[...], w_ref[...], preferred_element_type=jnp.float32), 0.0
    )


def _mm_sum_body(a_ref, b_ref, w_ref, o_ref):
    o_ref[...] = jnp.dot(
        a_ref[...] + b_ref[...], w_ref[...], preferred_element_type=jnp.float32
    )


def _edge_accumulate(h, src2, dst2, zeros):
    mesh = plsc.VectorSubcoreMesh(core_axis_name="c", subcore_axis_name="s")

    @functools.partial(
        pl.kernel,
        mesh=mesh,
        out_type=jax.ShapeDtypeStruct((NUM_CORES, N_PAD, D), jnp.float32),
        scratch_types=[
            pltpu.VMEM((MAX_CHUNKS, 1, CHUNK), jnp.int32),
            pltpu.VMEM((2, 1, CHUNK), jnp.int32),
            pltpu.VMEM((CHUNK, D), jnp.float32),
            pltpu.VMEM((CHUNK, D), jnp.float32),
            pltpu.VMEM_SHARED((N_PAD, D), jnp.float32),
            pltpu.SemaphoreType.DMA,
            pltpu.SemaphoreType.DMA,
            pltpu.SemaphoreType.DMA,
            pltpu.SemaphoreType.DMA,
        ],
    )
    def k(h_hbm, src_hbm, dst_hbm, zeros_hbm, out_hbm,
          src_v, dstb, rows0, rows1, acc, g0, g1, d0, d1):
        c = lax.axis_index("c")
        s = lax.axis_index("s")
        w = c * NUM_SUBCORES + s
        start = BASE_CHUNKS * w + jnp.minimum(w, 4)
        cnt = BASE_CHUNKS + jnp.where(w < 4, 1, 0)
        pltpu.sync_copy(
            zeros_hbm.at[pl.ds(s * ROWS_PER_SUBCORE, ROWS_PER_SUBCORE)],
            acc.at[pl.ds(s * ROWS_PER_SUBCORE, ROWS_PER_SUBCORE)],
        )
        pltpu.sync_copy(src_hbm.at[pl.ds(start, MAX_CHUNKS)], src_v)
        plsc.subcore_barrier()

        pltpu.async_copy(dst_hbm.at[start], dstb.at[0], d0)
        pltpu.async_copy(dst_hbm.at[start + 1], dstb.at[1], d1)
        pltpu.async_copy(h_hbm.at[src_v.at[0, 0]], rows0, g0)

        def step(j, carry):
            even = (j % 2) == 0
            more1 = j + 1 < cnt
            more2 = j + 2 < cnt

            @pl.when(even)
            def _():
                pltpu.make_async_copy(h_hbm.at[src_v.at[j, 0]], rows0, g0).wait()

            @pl.when(jnp.logical_not(even))
            def _():
                pltpu.make_async_copy(h_hbm.at[src_v.at[j, 0]], rows1, g1).wait()

            @pl.when(jnp.logical_and(even, more1))
            def _():
                pltpu.async_copy(h_hbm.at[src_v.at[j + 1, 0]], rows1, g1)

            @pl.when(jnp.logical_and(jnp.logical_not(even), more1))
            def _():
                pltpu.async_copy(h_hbm.at[src_v.at[j + 1, 0]], rows0, g0)

            @pl.when(even)
            def _():
                pltpu.make_async_copy(dst_hbm.at[start + j], dstb.at[0], d0).wait()
                pltpu.sync_copy(rows0, acc.at[dstb.at[0, 0]], add=True)

            @pl.when(jnp.logical_not(even))
            def _():
                pltpu.make_async_copy(dst_hbm.at[start + j], dstb.at[1], d1).wait()
                pltpu.sync_copy(rows1, acc.at[dstb.at[1, 0]], add=True)

            @pl.when(jnp.logical_and(even, more2))
            def _():
                pltpu.async_copy(dst_hbm.at[start + j + 2], dstb.at[0], d0)

            @pl.when(jnp.logical_and(jnp.logical_not(even), more2))
            def _():
                pltpu.async_copy(dst_hbm.at[start + j + 2], dstb.at[1], d1)

            return carry

        lax.fori_loop(0, cnt, step, 0, unroll=False)
        plsc.subcore_barrier()
        pltpu.sync_copy(
            acc.at[pl.ds(s * ROWS_PER_SUBCORE, ROWS_PER_SUBCORE)],
            out_hbm.at[c, pl.ds(s * ROWS_PER_SUBCORE, ROWS_PER_SUBCORE)],
        )

    return k(h, src2, dst2, zeros)


@jax.jit
def kernel(x, edge_label, edge_label_index, W1, W2):
    del edge_label
    h = pl.pallas_call(
        _mm_relu_body,
        grid=(N_ROW_BLOCKS,),
        in_specs=[
            pl.BlockSpec((ROW_BLOCK, D), lambda i: (i, 0)),
            pl.BlockSpec((D, D), lambda i: (0, 0)),
        ],
        out_specs=pl.BlockSpec((ROW_BLOCK, D), lambda i: (i, 0)),
        out_shape=jax.ShapeDtypeStruct((N_NODES, D), jnp.float32),
    )(x, W1)

    src2 = edge_label_index[0].reshape(G_CHUNKS, 1, CHUNK)
    src2 = jnp.concatenate(
        [src2, jnp.zeros((G_PAD - G_CHUNKS, 1, CHUNK), jnp.int32)], axis=0
    )
    dst2 = edge_label_index[1].reshape(G_CHUNKS, 1, CHUNK)
    zeros = jnp.zeros((N_PAD, D), jnp.float32)
    partials = _edge_accumulate(h, src2, dst2, zeros)[:, :N_NODES, :]

    s = pl.pallas_call(
        _mm_sum_body,
        grid=(N_ROW_BLOCKS,),
        in_specs=[
            pl.BlockSpec((ROW_BLOCK, D), lambda i: (i, 0)),
            pl.BlockSpec((ROW_BLOCK, D), lambda i: (i, 0)),
            pl.BlockSpec((D, D), lambda i: (0, 0)),
        ],
        out_specs=pl.BlockSpec((ROW_BLOCK, D), lambda i: (i, 0)),
        out_shape=jax.ShapeDtypeStruct((N_NODES, D), jnp.float32),
    )(partials[0], partials[1], W2)
    return s

# --- scband reference (transcript-rebuilt; emitter-appended) ---
"""Pipeline reference for scband-supervised-training-link-54348516164026 (READ-ONLY COPY).

The authoritative reference and input builder live on the scoring server;
editing this copy changes nothing except your own understanding.
"""

import jax, jax.numpy as jnp
import numpy as np

N_NODES = 10000
N_EDGES = 320000
D_FEAT = 128


def setup_inputs(seed: int = 0) -> dict:
    key = jax.random.key(seed)
    k1, k2, k3, k4, k5 = jax.random.split(key, 5)
    x = jax.random.normal(k1, (N_NODES, D_FEAT), dtype=jnp.float32)
    edge_label = jax.random.uniform(k2, (N_EDGES,), dtype=jnp.float32)
    edge_label_index = jax.random.randint(k3, (2, N_EDGES), 0, N_NODES, dtype=jnp.int32)
    # Learned parameters of the student encoder (2-layer GCN-style encoder)
    scale1 = 1.0 / np.sqrt(D_FEAT)
    W1 = jax.random.uniform(k4, (D_FEAT, D_FEAT), dtype=jnp.float32, minval=-scale1, maxval=scale1)
    W2 = jax.random.uniform(k5, (D_FEAT, D_FEAT), dtype=jnp.float32, minval=-scale1, maxval=scale1)
    return {"x": x, "edge_label": edge_label, "edge_label_index": edge_label_index, "W1": W1, "W2": W2}


def _encoder(x, edge_label_index, W1, W2):
    # student_encoder: linear -> relu -> message passing over label edges -> linear
    src = edge_label_index[0]
    dst = edge_label_index[1]
    h = jnp.maximum(x @ W1, 0.0)
    msgs = jnp.take(h, src, axis=0)                     # gather (SparseCore)
    agg = jax.ops.segment_sum(msgs, dst, num_segments=N_NODES)  # scatter-add (SparseCore)
    s = agg @ W2
    return s


def _decode(z, edge_label_index):
    src = edge_label_index[0]
    dst = edge_label_index[1]
    return jnp.sum(jnp.take(z, src, axis=0) * jnp.take(z, dst, axis=0), axis=-1)


def reference(x, edge_label, edge_label_index, W1, W2):
    s = _encoder(x, edge_label_index, W1, W2)
    out = _decode(s, edge_label_index).reshape(-1)
    # BCEWithLogitsLoss (computed as in the torch forward, though only s is returned)
    loss = jnp.mean(jnp.maximum(out, 0.0) - out * edge_label + jnp.log1p(jnp.exp(-jnp.abs(out))))
    _ = loss
    return s

if __name__ == "__main__":
    import jax
    _d = setup_inputs()
    print(jax.jit(kernel)(*tuple(_d.values())))

</pallas_src>

<mosaic_0001>
#map = affine_map<(d0, d1) -> (0, 0)>
#map1 = affine_map<(d0, d1) -> (0, 0, 0)>
module attributes {stable_mosaic.version = 14 : i64} {
  func.func @k(%arg0: i32, %arg1: i32, %arg2: memref<10000x128xf32, #tpu.memory_space<hbm>>, %arg3: memref<2560x1x128xi32, #tpu.memory_space<hbm>>, %arg4: memref<2500x1x128xi32, #tpu.memory_space<hbm>>, %arg5: memref<10240x128xf32, #tpu.memory_space<hbm>>, %arg6: memref<2x10240x128xf32, #tpu.memory_space<hbm>>, %arg7: memref<80x1x128xi32, #tpu.memory_space<vmem>>, %arg8: memref<2x1x128xi32, #tpu.memory_space<vmem>>, %arg9: memref<128x128xf32, #tpu.memory_space<vmem>>, %arg10: memref<128x128xf32, #tpu.memory_space<vmem>>, %arg11: memref<10240x128xf32, #tpu.memory_space<vmem_shared>>, %arg12: memref<!tpu.dma_semaphore, #tpu.memory_space<semaphore_mem>>, %arg13: memref<!tpu.dma_semaphore, #tpu.memory_space<semaphore_mem>>, %arg14: memref<!tpu.dma_semaphore, #tpu.memory_space<semaphore_mem>>, %arg15: memref<!tpu.dma_semaphore, #tpu.memory_space<semaphore_mem>>) attributes {dimension_semantics = [#tpu.dimension_semantics<core_parallel>, #tpu.dimension_semantics<subcore_parallel>], iteration_bounds = array<i64: 2, 16>, scalar_prefetch = 0 : i64, scratch_operands = 9 : i64, tpu.core_type = #tpu.core_type<sc_vector_subcore>, window_params = [{transform_indices = #map}, {transform_indices = #map1}, {transform_indices = #map1}, {transform_indices = #map}, {transform_indices = #map1}]} {
    %mul3A = arith.constant 16 : i32
    %mul3A_0 = arith.muli %arg0, %mul3A : i32
    %add3A = arith.addi %mul3A_0, %arg1 : i32
    %mul3A_1 = arith.constant 78 : i32
    %mul3A_2 = arith.muli %mul3A_1, %add3A : i32
    %min3A = arith.constant 4 : i32
    %min3A_3 = arith.minsi %add3A, %min3A : i32
    %add3A_4 = arith.addi %mul3A_2, %min3A_3 : i32
    %lt3A = arith.constant 4 : i32
    %lt3A_5 = arith.cmpi slt, %add3A, %lt3A : i32
    %jit3A = arith.constant 1 : i32
    %jit3A_6 = arith.constant 0 : i32
    %select_n3A = arith.select %lt3A_5, %jit3A, %jit3A_6 : i32
    %add3A_7 = arith.constant 78 : i32
    %add3A_8 = arith.addi %add3A_7, %select_n3A : i32
    %mul3A_9 = arith.constant 640 : i32
    %mul3A_10 = arith.muli %arg1, %mul3A_9 : i32
    %mul3A_11 = arith.constant 640 : i32
    %mul3A_12 = arith.muli %arg1, %mul3A_11 : i32
    "tpu.region"() ({
      %run_scoped3A = tpu.sem_alloc : memref<!tpu.dma_semaphore, #tpu.memory_space<semaphore_mem>>
      %dma_start3A_70 = arith.constant 0 : i32
      %dma_start3A_71 = tpu.memref_slice %arg11[%mul3A_12, %dma_start3A_70] : memref<10240x128xf32, #tpu.memory_space<vmem_shared>> -> memref<640x128xf32, #tpu.memory_space<vmem_shared>>
      %dma_start3A_72 = arith.constant 0 : i32
      %dma_start3A_73 = tpu.memref_slice %arg5[%mul3A_10, %dma_start3A_72] : memref<10240x128xf32, #tpu.memory_space<hbm>> -> memref<640x128xf32, #tpu.memory_space<hbm>>
      tpu.enqueue_dma source(%dma_start3A_73 : memref<640x128xf32, #tpu.memory_space<hbm>>) target(%dma_start3A_71 : memref<640x128xf32, #tpu.memory_space<vmem_shared>>) target_semaphore(%run_scoped3A : memref<!tpu.dma_semaphore, #tpu.memory_space<semaphore_mem>>)
      %dma_wait3A = arith.constant 0 : i32
      %dma_wait3A_74 = tpu.memref_slice %arg11[%mul3A_12, %dma_wait3A] : memref<10240x128xf32, #tpu.memory_space<vmem_shared>> -> memref<640x128xf32, #tpu.memory_space<vmem_shared>>
      %dma_wait3A_75 = arith.constant 0 : i32
      %dma_wait3A_76 = tpu.memref_slice %arg5[%mul3A_10, %dma_wait3A_75] : memref<10240x128xf32, #tpu.memory_space<hbm>> -> memref<640x128xf32, #tpu.memory_space<hbm>>
      tpu.wait_dma2 semaphore(%run_scoped3A : memref<!tpu.dma_semaphore, #tpu.memory_space<semaphore_mem>>) src(%dma_wait3A_76 : memref<640x128xf32, #tpu.memory_space<hbm>>) dst(%dma_wait3A_74 : memref<640x128xf32, #tpu.memory_space<vmem_shared>>)
      tpu.yield
    }) : () -> ()
    "tpu.region"() ({
      %run_scoped3A = tpu.sem_alloc : memref<!tpu.dma_semaphore, #tpu.memory_space<semaphore_mem>>
      %dma_start3A_70 = arith.constant 0 : i32
      %dma_start3A_71 = arith.constant 0 : i32
      %dma_start3A_72 = tpu.memref_slice %arg3[%add3A_4, %dma_start3A_70, %dma_start3A_71] : memref<2560x1x128xi32, #tpu.memory_space<hbm>> -> memref<80x1x128xi32, #tpu.memory_space<hbm>>
      %dma_start3A_73 = arith.constant 0 : i32
      %dma_start3A_74 = arith.constant 0 : i32
      %dma_start3A_75 = tpu.memref_slice %arg3[%add3A_4, %dma_start3A_73, %dma_start3A_74] : memref<2560x1x128xi32, #tpu.memory_space<hbm>> -> memref<80x1x128xi32, #tpu.memory_space<hbm>>
      tpu.enqueue_dma source(%dma_start3A_75 : memref<80x1x128xi32, #tpu.memory_space<hbm>>) target(%arg7 : memref<80x1x128xi32, #tpu.memory_space<vmem>>) target_semaphore(%run_scoped3A : memref<!tpu.dma_semaphore, #tpu.memory_space<semaphore_mem>>)
      %dma_wait3A = arith.constant 0 : i32
      %dma_wait3A_76 = arith.constant 0 : i32
      %dma_wait3A_77 = tpu.memref_slice %arg3[%add3A_4, %dma_wait3A, %dma_wait3A_76] : memref<2560x1x128xi32, #tpu.memory_space<hbm>> -> memref<80x1x128xi32, #tpu.memory_space<hbm>>
      %dma_wait3A_78 = arith.constant 0 : i32
      %dma_wait3A_79 = arith.constant 0 : i32
      %dma_wait3A_80 = tpu.memref_slice %arg3[%add3A_4, %dma_wait3A_78, %dma_wait3A_79] : memref<2560x1x128xi32, #tpu.memory_space<hbm>> -> memref<80x1x128xi32, #tpu.memory_space<hbm>>
      tpu.wait_dma2 semaphore(%run_scoped3A : memref<!tpu.dma_semaphore, #tpu.memory_space<semaphore_mem>>) src(%dma_wait3A_80 : memref<80x1x128xi32, #tpu.memory_space<hbm>>) dst(%arg7 : memref<80x1x128xi32, #tpu.memory_space<vmem>>)
      tpu.yield
    }) : () -> ()
    %barrier3A = arith.constant 0 : index
    tpu.barrier barrier_id(%barrier3A)
    %dma_start3A = arith.constant 0 : i32
    %dma_start3A_13 = arith.constant 0 : i32
    %dma_start3A_14 = arith.constant 0 : i32
    %dma_start3A_15 = tpu.memref_slice %arg8[%dma_start3A, %dma_start3A_13, %dma_start3A_14] : memref<2x1x128xi32, #tpu.memory_space<vmem>> -> memref<1x1x128xi32, #tpu.memory_space<vmem>>
    %dma_start3A_16 = tpu.memref_squeeze %dma_start3A_15 : memref<1x1x128xi32, #tpu.memory_space<vmem>> -> memref<1x128xi32, #tpu.memory_space<vmem>>
    %dma_start3A_17 = arith.constant 0 : i32
    %dma_start3A_18 = arith.constant 0 : i32
    %dma_start3A_19 = tpu.memref_slice %arg4[%add3A_4, %dma_start3A_17, %dma_start3A_18] : memref<2500x1x128xi32, #tpu.memory_space<hbm>> -> memref<1x1x128xi32, #tpu.memory_space<hbm>>
    %dma_start3A_20 = tpu.memref_squeeze %dma_start3A_19 : memref<1x1x128xi32, #tpu.memory_space<hbm>> -> memref<1x128xi32, #tpu.memory_space<hbm>>
    %dma_start3A_21 = arith.constant 0 : i32
    %dma_start3A_22 = arith.constant 0 : i32
    %dma_start3A_23 = tpu.memref_slice %arg8[%dma_start3A, %dma_start3A_21, %dma_start3A_22] : memref<2x1x128xi32, #tpu.memory_space<vmem>> -> memref<1x1x128xi32, #tpu.memory_space<vmem>>
    %dma_start3A_24 = tpu.memref_squeeze %dma_start3A_23 : memref<1x1x128xi32, #tpu.memory_space<vmem>> -> memref<1x128xi32, #tpu.memory_space<vmem>>
    %dma_start3A_25 = arith.constant 0 : i32
    %dma_start3A_26 = arith.constant 0 : i32
    %dma_start3A_27 = tpu.memref_slice %arg4[%add3A_4, %dma_start3A_25, %dma_start3A_26] : memref<2500x1x128xi32, #tpu.memory_space<hbm>> -> memref<1x1x128xi32, #tpu.memory_space<hbm>>
    %dma_start3A_28 = tpu.memref_squeeze %dma_start3A_27 : memref<1x1x128xi32, #tpu.memory_space<hbm>> -> memref<1x128xi32, #tpu.memory_space<hbm>>
    tpu.enqueue_dma source(%dma_start3A_28 : memref<1x128xi32, #tpu.memory_space<hbm>>) target(%dma_start3A_24 : memref<1x128xi32, #tpu.memory_space<vmem>>) target_semaphore(%arg14 : memref<!tpu.dma_semaphore, #tpu.memory_space<semaphore_mem>>)
    %add3A_29 = arith.constant 1 : i32
    %add3A_30 = arith.addi %add3A_4, %add3A_29 : i32
    %dma_start3A_31 = arith.constant 1 : i32
    %dma_start3A_32 = arith.constant 0 : i32
    %dma_start3A_33 = arith.constant 0 : i32
    %dma_start3A_34 = tpu.memref_slice %arg8[%dma_start3A_31, %dma_start3A_32, %dma_start3A_33] : memref<2x1x128xi32, #tpu.memory_space<vmem>> -> memref<1x1x128xi32, #tpu.memory_space<vmem>>
    %dma_start3A_35 = tpu.memref_squeeze %dma_start3A_34 : memref<1x1x128xi32, #tpu.memory_space<vmem>> -> memref<1x128xi32, #tpu.memory_space<vmem>>
    %dma_start3A_36 = arith.constant 0 : i32
    %dma_start3A_37 = arith.constant 0 : i32
    %dma_start3A_38 = tpu.memref_slice %arg4[%add3A_30, %dma_start3A_36, %dma_start3A_37] : memref<2500x1x128xi32, #tpu.memory_space<hbm>> -> memref<1x1x128xi32, #tpu.memory_space<hbm>>
    %dma_start3A_39 = tpu.memref_squeeze %dma_start3A_38 : memref<1x1x128xi32, #tpu.memory_space<hbm>> -> memref<1x128xi32, #tpu.memory_space<hbm>>
    %dma_start3A_40 = arith.constant 0 : i32
    %dma_start3A_41 = arith.constant 0 : i32
    %dma_start3A_42 = tpu.memref_slice %arg8[%dma_start3A_31, %dma_start3A_40, %dma_start3A_41] : memref<2x1x128xi32, #tpu.memory_space<vmem>> -> memref<1x1x128xi32, #tpu.memory_space<vmem>>
    %dma_start3A_43 = tpu.memref_squeeze %dma_start3A_42 : memref<1x1x128xi32, #tpu.memory_space<vmem>> -> memref<1x128xi32, #tpu.memory_space<vmem>>
    %dma_start3A_44 = arith.constant 0 : i32
    %dma_start3A_45 = arith.constant 0 : i32
    %dma_start3A_46 = tpu.memref_slice %arg4[%add3A_30, %dma_start3A_44, %dma_start3A_45] : memref<2500x1x128xi32, #tpu.memory_space<hbm>> -> memref<1x1x128xi32, #tpu.memory_space<hbm>>
    %dma_start3A_47 = tpu.memref_squeeze %dma_start3A_46 : memref<1x1x128xi32, #tpu.memory_space<hbm>> -> memref<1x128xi32, #tpu.memory_space<hbm>>
    tpu.enqueue_dma source(%dma_start3A_47 : memref<1x128xi32, #tpu.memory_space<hbm>>) target(%dma_start3A_43 : memref<1x128xi32, #tpu.memory_space<vmem>>) target_semaphore(%arg15 : memref<!tpu.dma_semaphore, #tpu.memory_space<semaphore_mem>>)
    %dma_start3A_48 = arith.constant 0 : i32
    %dma_start3A_49 = arith.constant 0 : i32
    %dma_start3A_50 = arith.constant 0 : i32
    %dma_start3A_51 = tpu.memref_slice %arg7[%dma_start3A_48, %dma_start3A_49, %dma_start3A_50] : memref<80x1x128xi32, #tpu.memory_space<vmem>> -> memref<1x1x128xi32, #tpu.memory_space<vmem>>
    %dma_start3A_52 = tpu.memref_squeeze %dma_start3A_51 : memref<1x1x128xi32, #tpu.memory_space<vmem>> -> memref<128xi32, #tpu.memory_space<vmem>>
    %dma_start3A_53 = arith.constant 0 : i32
    %dma_start3A_54 = arith.constant 0 : i32
    %dma_start3A_55 = tpu.memref_slice %arg2[%dma_start3A_53, %dma_start3A_54] : memref<10000x128xf32, #tpu.memory_space<hbm>> -> memref<10000x128xf32, #tpu.memory_space<hbm>>
    tpu.enqueue_indirect_dma source(%dma_start3A_55 : memref<10000x128xf32, #tpu.memory_space<hbm>>) target(%arg9 : memref<128x128xf32, #tpu.memory_space<vmem>>) offsets(%dma_start3A_52 : memref<128xi32, #tpu.memory_space<vmem>>) semaphore(%arg12 : memref<!tpu.dma_semaphore, #tpu.memory_space<semaphore_mem>>)
    %while3A = arith.constant 0 : i32
    %while3A_56 = arith.constant 0 : i32
    %while3A_57 = arith.subi %add3A_8, %while3A_56 : i32
    %while3A_58 = arith.addi %while3A_56, %while3A_57 : i32
    %while3A_59 = arith.constant 1 : i32
    %while3A_60 = arith.divsi %while3A_57, %while3A_59 : i32
    %while3A_61 = arith.muli %while3A_60, %while3A_59 : i32
    %while3A_62 = arith.addi %while3A_56, %while3A_61 : i32
    %while3A_63 = arith.constant 1 : i32
    scf.for %while3A_70 = %while3A_56 to %while3A_62 step %while3A_63  : i32 {
      %jit3A_71 = arith.constant 2 : i32
      %eq3A = arith.constant 0 : i32
      %eq3A_72 = arith.cmpi eq, %jit3A_71, %eq3A : i32
      %jit3A_73 = arith.constant 1 : i32
      %select_n3A_74 = arith.select %eq3A_72, %jit3A_73, %jit3A_71 : i32
      %rem3A = arith.remsi %while3A_70, %select_n3A_74 : i32
      %ne3A = arith.constant 0 : i32
      %ne3A_75 = arith.cmpi ne, %rem3A, %ne3A : i32
      %lt3A_76 = arith.constant 0 : i32
      %lt3A_77 = arith.cmpi slt, %rem3A, %lt3A_76 : i32
      %lt3A_78 = arith.constant 0 : i32
      %lt3A_79 = arith.cmpi slt, %select_n3A_74, %lt3A_78 : i32
      %ne3A_80 = arith.xori %lt3A_77, %lt3A_79 : i1
      %and3A = arith.andi %ne3A_80, %ne3A_75 : i1
      %add3A_81 = arith.addi %rem3A, %select_n3A_74 : i32
      %select_n3A_82 = arith.select %and3A, %add3A_81, %rem3A : i32
      %eq3A_83 = arith.constant 0 : i32
      %eq3A_84 = arith.cmpi eq, %select_n3A_82, %eq3A_83 : i32
      %add3A_85 = arith.constant 1 : i32
      %add3A_86 = arith.addi %while3A_70, %add3A_85 : i32
      %lt3A_87 = arith.cmpi slt, %add3A_86, %add3A_8 : i32
      %add3A_88 = arith.constant 2 : i32
      %add3A_89 = arith.addi %while3A_70, %add3A_88 : i32
      %lt3A_90 = arith.cmpi slt, %add3A_89, %add3A_8 : i32
      %convert_element_type3A = arith.extui %eq3A_84 : i1 to i32
      %cond3A = arith.constant 0 : i32
      %cond3A_91 = arith.cmpi ne, %convert_element_type3A, %cond3A : i32
      scf.if %cond3A_91 {
        %dma_wait3A = arith.constant 0 : i32
        %dma_wait3A_124 = arith.constant 0 : i32
        %dma_wait3A_125 = tpu.memref_slice %arg7[%while3A_70, %dma_wait3A, %dma_wait3A_124] : memref<80x1x128xi32, #tpu.memory_space<vmem>> -> memref<1x1x128xi32, #tpu.memory_space<vmem>>
        %dma_wait3A_126 = tpu.memref_squeeze %dma_wait3A_125 : memref<1x1x128xi32, #tpu.memory_space<vmem>> -> memref<128xi32, #tpu.memory_space<vmem>>
        %dma_wait3A_127 = arith.constant 0 : i32
        %dma_wait3A_128 = arith.constant 0 : i32
        %dma_wait3A_129 = tpu.memref_slice %arg2[%dma_wait3A_127, %dma_wait3A_128] : memref<10000x128xf32, #tpu.memory_space<hbm>> -> memref<10000x128xf32, #tpu.memory_space<hbm>>
        tpu.wait_indirect_dma semaphore(%arg12 : memref<!tpu.dma_semaphore, #tpu.memory_space<semaphore_mem>>) src(%dma_wait3A_129 : memref<10000x128xf32, #tpu.memory_space<hbm>>) dst(%arg9 : memref<128x128xf32, #tpu.memory_space<vmem>>)
      } else {
      }
      %not3A = arith.constant true
      %not3A_92 = arith.xori %eq3A_84, %not3A : i1
      %convert_element_type3A_93 = arith.extui %not3A_92 : i1 to i32
      %cond3A_94 = arith.constant 0 : i32
      %cond3A_95 = arith.cmpi ne, %convert_element_type3A_93, %cond3A_94 : i32
      scf.if %cond3A_95 {
        %dma_wait3A = arith.constant 0 : i32
        %dma_wait3A_124 = arith.constant 0 : i32
        %dma_wait3A_125 = tpu.memref_slice %arg7[%while3A_70, %dma_wait3A, %dma_wait3A_124] : memref<80x1x128xi32, #tpu.memory_space<vmem>> -> memref<1x1x128xi32, #tpu.memory_space<vmem>>
        %dma_wait3A_126 = tpu.memref_squeeze %dma_wait3A_125 : memref<1x1x128xi32, #tpu.memory_space<vmem>> -> memref<128xi32, #tpu.memory_space<vmem>>
        %dma_wait3A_127 = arith.constant 0 : i32
        %dma_wait3A_128 = arith.constant 0 : i32
        %dma_wait3A_129 = tpu.memref_slice %arg2[%dma_wait3A_127, %dma_wait3A_128] : memref<10000x128xf32, #tpu.memory_space<hbm>> -> memref<10000x128xf32, #tpu.memory_space<hbm>>
        tpu.wait_indirect_dma semaphore(%arg13 : memref<!tpu.dma_semaphore, #tpu.memory_space<semaphore_mem>>) src(%dma_wait3A_129 : memref<10000x128xf32, #tpu.memory_space<hbm>>) dst(%arg10 : memref<128x128xf32, #tpu.memory_space<vmem>>)
      } else {
      }
      %and3A_96 = arith.andi %eq3A_84, %lt3A_87 : i1
      %convert_element_type3A_97 = arith.extui %and3A_96 : i1 to i32
      %cond3A_98 = arith.constant 0 : i32
      %cond3A_99 = arith.cmpi ne, %convert_element_type3A_97, %cond3A_98 : i32
      scf.if %cond3A_99 {
        %add3A_124 = arith.constant 1 : i32
        %add3A_125 = arith.addi %while3A_70, %add3A_124 : i32
        %dma_start3A_126 = arith.constant 0 : i32
        %dma_start3A_127 = arith.constant 0 : i32
        %dma_start3A_128 = tpu.memref_slice %arg7[%add3A_125, %dma_start3A_126, %dma_start3A_127] : memref<80x1x128xi32, #tpu.memory_space<vmem>> -> memref<1x1x128xi32, #tpu.memory_space<vmem>>
        %dma_start3A_129 = tpu.memref_squeeze %dma_start3A_128 : memref<1x1x128xi32, #tpu.memory_space<vmem>> -> memref<128xi32, #tpu.memory_space<vmem>>
        %dma_start3A_130 = arith.constant 0 : i32
        %dma_start3A_131 = arith.constant 0 : i32
        %dma_start3A_132 = tpu.memref_slice %arg2[%dma_start3A_130, %dma_start3A_131] : memref<10000x128xf32, #tpu.memory_space<hbm>> -> memref<10000x128xf32, #tpu.memory_space<hbm>>
        tpu.enqueue_indirect_dma source(%dma_start3A_132 : memref<10000x128xf32, #tpu.memory_space<hbm>>) target(%arg10 : memref<128x128xf32, #tpu.memory_space<vmem>>) offsets(%dma_start3A_129 : memref<128xi32, #tpu.memory_space<vmem>>) semaphore(%arg13 : memref<!tpu.dma_semaphore, #tpu.memory_space<semaphore_mem>>)
      } else {
      }
      %not3A_100 = arith.constant true
      %not3A_101 = arith.xori %eq3A_84, %not3A_100 : i1
      %and3A_102 = arith.andi %not3A_101, %lt3A_87 : i1
      %convert_element_type3A_103 = arith.extui %and3A_102 : i1 to i32
      %cond3A_104 = arith.constant 0 : i32
      %cond3A_105 = arith.cmpi ne, %convert_element_type3A_103, %cond3A_104 : i32
      scf.if %cond3A_105 {
        %add3A_124 = arith.constant 1 : i32
        %add3A_125 = arith.addi %while3A_70, %add3A_124 : i32
        %dma_start3A_126 = arith.constant 0 : i32
        %dma_start3A_127 = arith.constant 0 : i32
        %dma_start3A_128 = tpu.memref_slice %arg7[%add3A_125, %dma_start3A_126, %dma_start3A_127] : memref<80x1x128xi32, #tpu.memory_space<vmem>> -> memref<1x1x128xi32, #tpu.memory_space<vmem>>
        %dma_start3A_129 = tpu.memref_squeeze %dma_start3A_128 : memref<1x1x128xi32, #tpu.memory_space<vmem>> -> memref<128xi32, #tpu.memory_space<vmem>>
        %dma_start3A_130 = arith.constant 0 : i32
        %dma_start3A_131 = arith.constant 0 : i32
        %dma_start3A_132 = tpu.memref_slice %arg2[%dma_start3A_130, %dma_start3A_131] : memref<10000x128xf32, #tpu.memory_space<hbm>> -> memref<10000x128xf32, #tpu.memory_space<hbm>>
        tpu.enqueue_indirect_dma source(%dma_start3A_132 : memref<10000x128xf32, #tpu.memory_space<hbm>>) target(%arg9 : memref<128x128xf32, #tpu.memory_space<vmem>>) offsets(%dma_start3A_129 : memref<128xi32, #tpu.memory_space<vmem>>) semaphore(%arg12 : memref<!tpu.dma_semaphore, #tpu.memory_space<semaphore_mem>>)
      } else {
      }
      %convert_element_type3A_106 = arith.extui %eq3A_84 : i1 to i32
      %cond3A_107 = arith.constant 0 : i32
      %cond3A_108 = arith.cmpi ne, %convert_element_type3A_106, %cond3A_107 : i32
      scf.if %cond3A_108 {
        %add3A_124 = arith.addi %add3A_4, %while3A_70 : i32
        %dma_wait3A = arith.constant 0 : i32
        %dma_wait3A_125 = arith.constant 0 : i32
        %dma_wait3A_126 = arith.constant 0 : i32
        %dma_wait3A_127 = tpu.memref_slice %arg8[%dma_wait3A, %dma_wait3A_125, %dma_wait3A_126] : memref<2x1x128xi32, #tpu.memory_space<vmem>> -> memref<1x1x128xi32, #tpu.memory_space<vmem>>
        %dma_wait3A_128 = tpu.memref_squeeze %dma_wait3A_127 : memref<1x1x128xi32, #tpu.memory_space<vmem>> -> memref<1x128xi32, #tpu.memory_space<vmem>>
        %dma_wait3A_129 = arith.constant 0 : i32
        %dma_wait3A_130 = arith.constant 0 : i32
        %dma_wait3A_131 = tpu.memref_slice %arg4[%add3A_124, %dma_wait3A_129, %dma_wait3A_130] : memref<2500x1x128xi32, #tpu.memory_space<hbm>> -> memref<1x1x128xi32, #tpu.memory_space<hbm>>
        %dma_wait3A_132 = tpu.memref_squeeze %dma_wait3A_131 : memref<1x1x128xi32, #tpu.memory_space<hbm>> -> memref<1x128xi32, #tpu.memory_space<hbm>>
        %dma_wait3A_133 = arith.constant 0 : i32
        %dma_wait3A_134 = arith.constant 0 : i32
        %dma_wait3A_135 = tpu.memref_slice %arg8[%dma_wait3A, %dma_wait3A_133, %dma_wait3A_134] : memref<2x1x128xi32, #tpu.memory_space<vmem>> -> memref<1x1x128xi32, #tpu.memory_space<vmem>>
        %dma_wait3A_136 = tpu.memref_squeeze %dma_wait3A_135 : memref<1x1x128xi32, #tpu.memory_space<vmem>> -> memref<1x128xi32, #tpu.memory_space<vmem>>
        %dma_wait3A_137 = arith.constant 0 : i32
        %dma_wait3A_138 = arith.constant 0 : i32
        %dma_wait3A_139 = tpu.memref_slice %arg4[%add3A_124, %dma_wait3A_137, %dma_wait3A_138] : memref<2500x1x128xi32, #tpu.memory_space<hbm>> -> memref<1x1x128xi32, #tpu.memory_space<hbm>>
        %dma_wait3A_140 = tpu.memref_squeeze %dma_wait3A_139 : memref<1x1x128xi32, #tpu.memory_space<hbm>> -> memref<1x128xi32, #tpu.memory_space<hbm>>
        tpu.wait_dma2 semaphore(%arg14 : memref<!tpu.dma_semaphore, #tpu.memory_space<semaphore_mem>>) src(%dma_wait3A_140 : memref<1x128xi32, #tpu.memory_space<hbm>>) dst(%dma_wait3A_136 : memref<1x128xi32, #tpu.memory_space<vmem>>)
        %run_scoped3A = arith.constant 0 : i32
        %run_scoped3A_141 = arith.constant 0 : i32
        "tpu.region"() ({
          %run_scoped3A_142 = tpu.sem_alloc : memref<!tpu.dma_semaphore, #tpu.memory_space<semaphore_mem>>
          %dma_start3A_143 = arith.constant 0 : i32
          %dma_start3A_144 = tpu.memref_slice %arg8[%run_scoped3A, %run_scoped3A_141, %dma_start3A_143] : memref<2x1x128xi32, #tpu.memory_space<vmem>> -> memref<1x1x128xi32, #tpu.memory_space<vmem>>
          %dma_start3A_145 = tpu.memref_squeeze %dma_start3A_144 : memref<1x1x128xi32, #tpu.memory_space<vmem>> -> memref<128xi32, #tpu.memory_space<vmem>>
          %dma_start3A_146 = arith.constant 0 : i32
          %dma_start3A_147 = arith.constant 0 : i32
          %dma_start3A_148 = tpu.memref_slice %arg11[%dma_start3A_146, %dma_start3A_147] : memref<10240x128xf32, #tpu.memory_space<vmem_shared>> -> memref<10240x128xf32, #tpu.memory_space<vmem_shared>>
          tpu.enqueue_indirect_dma source(%arg9 : memref<128x128xf32, #tpu.memory_space<vmem>>) target(%dma_start3A_148 : memref<10240x128xf32, #tpu.memory_space<vmem_shared>>) offsets(%dma_start3A_145 : memref<128xi32, #tpu.memory_space<vmem>>) semaphore(%run_scoped3A_142 : memref<!tpu.dma_semaphore, #tpu.memory_space<semaphore_mem>>) {add = true}
          %dma_wait3A_149 = arith.constant 0 : i32
          %dma_wait3A_150 = tpu.memref_slice %arg8[%run_scoped3A, %run_scoped3A_141, %dma_wait3A_149] : memref<2x1x128xi32, #tpu.memory_space<vmem>> -> memref<1x1x128xi32, #tpu.memory_space<vmem>>
          %dma_wait3A_151 = tpu.memref_squeeze %dma_wait3A_150 : memref<1x1x128xi32, #tpu.memory_space<vmem>> -> memref<128xi32, #tpu.memory_space<vmem>>
          %dma_wait3A_152 = arith.constant 0 : i32
          %dma_wait3A_153 = arith.constant 0 : i32
          %dma_wait3A_154 = tpu.memref_slice %arg11[%dma_wait3A_152, %dma_wait3A_153] : memref<10240x128xf32, #tpu.memory_space<vmem_shared>> -> memref<10240x128xf32, #tpu.memory_space<vmem_shared>>
          tpu.wait_indirect_dma semaphore(%run_scoped3A_142 : memref<!tpu.dma_semaphore, #tpu.memory_space<semaphore_mem>>) src(%arg9 : memref<128x128xf32, #tpu.memory_space<vmem>>) dst(%dma_wait3A_154 : memref<10240x128xf32, #tpu.memory_space<vmem_shared>>)
          tpu.yield
        }) : () -> ()
      } else {
      }
      %not3A_109 = arith.constant true
      %not3A_110 = arith.xori %eq3A_84, %not3A_109 : i1
      %convert_element_type3A_111 = arith.extui %not3A_110 : i1 to i32
      %cond3A_112 = arith.constant 0 : i32
      %cond3A_113 = arith.cmpi ne, %convert_element_type3A_111, %cond3A_112 : i32
      scf.if %cond3A_113 {
        %add3A_124 = arith.addi %add3A_4, %while3A_70 : i32
        %dma_wait3A = arith.constant 1 : i32
        %dma_wait3A_125 = arith.constant 0 : i32
        %dma_wait3A_126 = arith.constant 0 : i32
        %dma_wait3A_127 = tpu.memref_slice %arg8[%dma_wait3A, %dma_wait3A_125, %dma_wait3A_126] : memref<2x1x128xi32, #tpu.memory_space<vmem>> -> memref<1x1x128xi32, #tpu.memory_space<vmem>>
        %dma_wait3A_128 = tpu.memref_squeeze %dma_wait3A_127 : memref<1x1x128xi32, #tpu.memory_space<vmem>> -> memref<1x128xi32, #tpu.memory_space<vmem>>
        %dma_wait3A_129 = arith.constant 0 : i32
        %dma_wait3A_130 = arith.constant 0 : i32
        %dma_wait3A_131 = tpu.memref_slice %arg4[%add3A_124, %dma_wait3A_129, %dma_wait3A_130] : memref<2500x1x128xi32, #tpu.memory_space<hbm>> -> memref<1x1x128xi32, #tpu.memory_space<hbm>>
        %dma_wait3A_132 = tpu.memref_squeeze %dma_wait3A_131 : memref<1x1x128xi32, #tpu.memory_space<hbm>> -> memref<1x128xi32, #tpu.memory_space<hbm>>
        %dma_wait3A_133 = arith.constant 0 : i32
        %dma_wait3A_134 = arith.constant 0 : i32
        %dma_wait3A_135 = tpu.memref_slice %arg8[%dma_wait3A, %dma_wait3A_133, %dma_wait3A_134] : memref<2x1x128xi32, #tpu.memory_space<vmem>> -> memref<1x1x128xi32, #tpu.memory_space<vmem>>
        %dma_wait3A_136 = tpu.memref_squeeze %dma_wait3A_135 : memref<1x1x128xi32, #tpu.memory_space<vmem>> -> memref<1x128xi32, #tpu.memory_space<vmem>>
        %dma_wait3A_137 = arith.constant 0 : i32
        %dma_wait3A_138 = arith.constant 0 : i32
        %dma_wait3A_139 = tpu.memref_slice %arg4[%add3A_124, %dma_wait3A_137, %dma_wait3A_138] : memref<2500x1x128xi32, #tpu.memory_space<hbm>> -> memref<1x1x128xi32, #tpu.memory_space<hbm>>
        %dma_wait3A_140 = tpu.memref_squeeze %dma_wait3A_139 : memref<1x1x128xi32, #tpu.memory_space<hbm>> -> memref<1x128xi32, #tpu.memory_space<hbm>>
        tpu.wait_dma2 semaphore(%arg15 : memref<!tpu.dma_semaphore, #tpu.memory_space<semaphore_mem>>) src(%dma_wait3A_140 : memref<1x128xi32, #tpu.memory_space<hbm>>) dst(%dma_wait3A_136 : memref<1x128xi32, #tpu.memory_space<vmem>>)
        %run_scoped3A = arith.constant 1 : i32
        %run_scoped3A_141 = arith.constant 0 : i32
        "tpu.region"() ({
          %run_scoped3A_142 = tpu.sem_alloc : memref<!tpu.dma_semaphore, #tpu.memory_space<semaphore_mem>>
          %dma_start3A_143 = arith.constant 0 : i32
          %dma_start3A_144 = tpu.memref_slice %arg8[%run_scoped3A, %run_scoped3A_141, %dma_start3A_143] : memref<2x1x128xi32, #tpu.memory_space<vmem>> -> memref<1x1x128xi32, #tpu.memory_space<vmem>>
          %dma_start3A_145 = tpu.memref_squeeze %dma_start3A_144 : memref<1x1x128xi32, #tpu.memory_space<vmem>> -> memref<128xi32, #tpu.memory_space<vmem>>
          %dma_start3A_146 = arith.constant 0 : i32
          %dma_start3A_147 = arith.constant 0 : i32
          %dma_start3A_148 = tpu.memref_slice %arg11[%dma_start3A_146, %dma_start3A_147] : memref<10240x128xf32, #tpu.memory_space<vmem_shared>> -> memref<10240x128xf32, #tpu.memory_space<vmem_shared>>
          tpu.enqueue_indirect_dma source(%arg10 : memref<128x128xf32, #tpu.memory_space<vmem>>) target(%dma_start3A_148 : memref<10240x128xf32, #tpu.memory_space<vmem_shared>>) offsets(%dma_start3A_145 : memref<128xi32, #tpu.memory_space<vmem>>) semaphore(%run_scoped3A_142 : memref<!tpu.dma_semaphore, #tpu.memory_space<semaphore_mem>>) {add = true}
          %dma_wait3A_149 = arith.constant 0 : i32
          %dma_wait3A_150 = tpu.memref_slice %arg8[%run_scoped3A, %run_scoped3A_141, %dma_wait3A_149] : memref<2x1x128xi32, #tpu.memory_space<vmem>> -> memref<1x1x128xi32, #tpu.memory_space<vmem>>
          %dma_wait3A_151 = tpu.memref_squeeze %dma_wait3A_150 : memref<1x1x128xi32, #tpu.memory_space<vmem>> -> memref<128xi32, #tpu.memory_space<vmem>>
          %dma_wait3A_152 = arith.constant 0 : i32
          %dma_wait3A_153 = arith.constant 0 : i32
          %dma_wait3A_154 = tpu.memref_slice %arg11[%dma_wait3A_152, %dma_wait3A_153] : memref<10240x128xf32, #tpu.memory_space<vmem_shared>> -> memref<10240x128xf32, #tpu.memory_space<vmem_shared>>
          tpu.wait_indirect_dma semaphore(%run_scoped3A_142 : memref<!tpu.dma_semaphore, #tpu.memory_space<semaphore_mem>>) src(%arg10 : memref<128x128xf32, #tpu.memory_space<vmem>>) dst(%dma_wait3A_154 : memref<10240x128xf32, #tpu.memory_space<vmem_shared>>)
          tpu.yield
        }) : () -> ()
      } else {
      }
      %and3A_114 = arith.andi %eq3A_84, %lt3A_90 : i1
      %convert_element_type3A_115 = arith.extui %and3A_114 : i1 to i32
      %cond3A_116 = arith.constant 0 : i32
      %cond3A_117 = arith.cmpi ne, %convert_element_type3A_115, %cond3A_116 : i32
      scf.if %cond3A_117 {
        %add3A_124 = arith.addi %add3A_4, %while3A_70 : i32
        %add3A_125 = arith.constant 2 : i32
        %add3A_126 = arith.addi %add3A_124, %add3A_125 : i32
        %dma_start3A_127 = arith.constant 0 : i32
        %dma_start3A_128 = arith.constant 0 : i32
        %dma_start3A_129 = arith.constant 0 : i32
        %dma_start3A_130 = tpu.memref_slice %arg8[%dma_start3A_127, %dma_start3A_128, %dma_start3A_129] : memref<2x1x128xi32, #tpu.memory_space<vmem>> -> memref<1x1x128xi32, #tpu.memory_space<vmem>>
        %dma_start3A_131 = tpu.memref_squeeze %dma_start3A_130 : memref<1x1x128xi32, #tpu.memory_space<vmem>> -> memref<1x128xi32, #tpu.memory_space<vmem>>
        %dma_start3A_132 = arith.constant 0 : i32
        %dma_start3A_133 = arith.constant 0 : i32
        %dma_start3A_134 = tpu.memref_slice %arg4[%add3A_126, %dma_start3A_132, %dma_start3A_133] : memref<2500x1x128xi32, #tpu.memory_space<hbm>> -> memref<1x1x128xi32, #tpu.memory_space<hbm>>
        %dma_start3A_135 = tpu.memref_squeeze %dma_start3A_134 : memref<1x1x128xi32, #tpu.memory_space<hbm>> -> memref<1x128xi32, #tpu.memory_space<hbm>>
        %dma_start3A_136 = arith.constant 0 : i32
        %dma_start3A_137 = arith.constant 0 : i32
        %dma_start3A_138 = tpu.memref_slice %arg8[%dma_start3A_127, %dma_start3A_136, %dma_start3A_137] : memref<2x1x128xi32, #tpu.memory_space<vmem>> -> memref<1x1x128xi32, #tpu.memory_space<vmem>>
        %dma_start3A_139 = tpu.memref_squeeze %dma_start3A_138 : memref<1x1x128xi32, #tpu.memory_space<vmem>> -> memref<1x128xi32, #tpu.memory_space<vmem>>
        %dma_start3A_140 = arith.constant 0 : i32
        %dma_start3A_141 = arith.constant 0 : i32
        %dma_start3A_142 = tpu.memref_slice %arg4[%add3A_126, %dma_start3A_140, %dma_start3A_141] : memref<2500x1x128xi32, #tpu.memory_space<hbm>> -> memref<1x1x128xi32, #tpu.memory_space<hbm>>
        %dma_start3A_143 = tpu.memref_squeeze %dma_start3A_142 : memref<1x1x128xi32, #tpu.memory_space<hbm>> -> memref<1x128xi32, #tpu.memory_space<hbm>>
        tpu.enqueue_dma source(%dma_start3A_143 : memref<1x128xi32, #tpu.memory_space<hbm>>) target(%dma_start3A_139 : memref<1x128xi32, #tpu.memory_space<vmem>>) target_semaphore(%arg14 : memref<!tpu.dma_semaphore, #tpu.memory_space<semaphore_mem>>)
      } else {
      }
      %not3A_118 = arith.constant true
      %not3A_119 = arith.xori %eq3A_84, %not3A_118 : i1
      %and3A_120 = arith.andi %not3A_119, %lt3A_90 : i1
      %convert_element_type3A_121 = arith.extui %and3A_120 : i1 to i32
      %cond3A_122 = arith.constant 0 : i32
      %cond3A_123 = arith.cmpi ne, %convert_element_type3A_121, %cond3A_122 : i32
      scf.if %cond3A_123 {
        %add3A_124 = arith.addi %add3A_4, %while3A_70 : i32
        %add3A_125 = arith.constant 2 : i32
        %add3A_126 = arith.addi %add3A_124, %add3A_125 : i32
        %dma_start3A_127 = arith.constant 1 : i32
        %dma_start3A_128 = arith.constant 0 : i32
        %dma_start3A_129 = arith.constant 0 : i32
        %dma_start3A_130 = tpu.memref_slice %arg8[%dma_start3A_127, %dma_start3A_128, %dma_start3A_129] : memref<2x1x128xi32, #tpu.memory_space<vmem>> -> memref<1x1x128xi32, #tpu.memory_space<vmem>>
        %dma_start3A_131 = tpu.memref_squeeze %dma_start3A_130 : memref<1x1x128xi32, #tpu.memory_space<vmem>> -> memref<1x128xi32, #tpu.memory_space<vmem>>
        %dma_start3A_132 = arith.constant 0 : i32
        %dma_start3A_133 = arith.constant 0 : i32
        %dma_start3A_134 = tpu.memref_slice %arg4[%add3A_126, %dma_start3A_132, %dma_start3A_133] : memref<2500x1x128xi32, #tpu.memory_space<hbm>> -> memref<1x1x128xi32, #tpu.memory_space<hbm>>
        %dma_start3A_135 = tpu.memref_squeeze %dma_start3A_134 : memref<1x1x128xi32, #tpu.memory_space<hbm>> -> memref<1x128xi32, #tpu.memory_space<hbm>>
        %dma_start3A_136 = arith.constant 0 : i32
        %dma_start3A_137 = arith.constant 0 : i32
        %dma_start3A_138 = tpu.memref_slice %arg8[%dma_start3A_127, %dma_start3A_136, %dma_start3A_137] : memref<2x1x128xi32, #tpu.memory_space<vmem>> -> memref<1x1x128xi32, #tpu.memory_space<vmem>>
        %dma_start3A_139 = tpu.memref_squeeze %dma_start3A_138 : memref<1x1x128xi32, #tpu.memory_space<vmem>> -> memref<1x128xi32, #tpu.memory_space<vmem>>
        %dma_start3A_140 = arith.constant 0 : i32
        %dma_start3A_141 = arith.constant 0 : i32
        %dma_start3A_142 = tpu.memref_slice %arg4[%add3A_126, %dma_start3A_140, %dma_start3A_141] : memref<2500x1x128xi32, #tpu.memory_space<hbm>> -> memref<1x1x128xi32, #tpu.memory_space<hbm>>
        %dma_start3A_143 = tpu.memref_squeeze %dma_start3A_142 : memref<1x1x128xi32, #tpu.memory_space<hbm>> -> memref<1x128xi32, #tpu.memory_space<hbm>>
        tpu.enqueue_dma source(%dma_start3A_143 : memref<1x128xi32, #tpu.memory_space<hbm>>) target(%dma_start3A_139 : memref<1x128xi32, #tpu.memory_space<vmem>>) target_semaphore(%arg15 : memref<!tpu.dma_semaphore, #tpu.memory_space<semaphore_mem>>)
      } else {
      }
    }
    %while3A_64 = arith.constant 1 : i32
    scf.for %while3A_70 = %while3A_62 to %while3A_58 step %while3A_64  : i32 {
      %jit3A_71 = arith.constant 2 : i32
      %eq3A = arith.constant 0 : i32
      %eq3A_72 = arith.cmpi eq, %jit3A_71, %eq3A : i32
      %jit3A_73 = arith.constant 1 : i32
      %select_n3A_74 = arith.select %eq3A_72, %jit3A_73, %jit3A_71 : i32
      %rem3A = arith.remsi %while3A_70, %select_n3A_74 : i32
      %ne3A = arith.constant 0 : i32
      %ne3A_75 = arith.cmpi ne, %rem3A, %ne3A : i32
      %lt3A_76 = arith.constant 0 : i32
      %lt3A_77 = arith.cmpi slt, %rem3A, %lt3A_76 : i32
      %lt3A_78 = arith.constant 0 : i32
      %lt3A_79 = arith.cmpi slt, %select_n3A_74, %lt3A_78 : i32
      %ne3A_80 = arith.xori %lt3A_77, %lt3A_79 : i1
      %and3A = arith.andi %ne3A_80, %ne3A_75 : i1
      %add3A_81 = arith.addi %rem3A, %select_n3A_74 : i32
      %select_n3A_82 = arith.select %and3A, %add3A_81, %rem3A : i32
      %eq3A_83 = arith.constant 0 : i32
      %eq3A_84 = arith.cmpi eq, %select_n3A_82, %eq3A_83 : i32
      %add3A_85 = arith.constant 1 : i32
      %add3A_86 = arith.addi %while3A_70, %add3A_85 : i32
      %lt3A_87 = arith.cmpi slt, %add3A_86, %add3A_8 : i32
      %add3A_88 = arith.constant 2 : i32
      %add3A_89 = arith.addi %while3A_70, %add3A_88 : i32
      %lt3A_90 = arith.cmpi slt, %add3A_89, %add3A_8 : i32
      %convert_element_type3A = arith.extui %eq3A_84 : i1 to i32
      %cond3A = arith.constant 0 : i32
      %cond3A_91 = arith.cmpi ne, %convert_element_type3A, %cond3A : i32
      scf.if %cond3A_91 {
        %dma_wait3A = arith.constant 0 : i32
        %dma_wait3A_124 = arith.constant 0 : i32
        %dma_wait3A_125 = tpu.memref_slice %arg7[%while3A_70, %dma_wait3A, %dma_wait3A_124] : memref<80x1x128xi32, #tpu.memory_space<vmem>> -> memref<1x1x128xi32, #tpu.memory_space<vmem>>
        %dma_wait3A_126 = tpu.memref_squeeze %dma_wait3A_125 : memref<1x1x128xi32, #tpu.memory_space<vmem>> -> memref<128xi32, #tpu.memory_space<vmem>>
        %dma_wait3A_127 = arith.constant 0 : i32
        %dma_wait3A_128 = arith.constant 0 : i32
        %dma_wait3A_129 = tpu.memref_slice %arg2[%dma_wait3A_127, %dma_wait3A_128] : memref<10000x128xf32, #tpu.memory_space<hbm>> -> memref<10000x128xf32, #tpu.memory_space<hbm>>
        tpu.wait_indirect_dma semaphore(%arg12 : memref<!tpu.dma_semaphore, #tpu.memory_space<semaphore_mem>>) src(%dma_wait3A_129 : memref<10000x128xf32, #tpu.memory_space<hbm>>) dst(%arg9 : memref<128x128xf32, #tpu.memory_space<vmem>>)
      } else {
      }
      %not3A = arith.constant true
      %not3A_92 = arith.xori %eq3A_84, %not3A : i1
      %convert_element_type3A_93 = arith.extui %not3A_92 : i1 to i32
      %cond3A_94 = arith.constant 0 : i32
      %cond3A_95 = arith.cmpi ne, %convert_element_type3A_93, %cond3A_94 : i32
      scf.if %cond3A_95 {
        %dma_wait3A = arith.constant 0 : i32
        %dma_wait3A_124 = arith.constant 0 : i32
        %dma_wait3A_125 = tpu.memref_slice %arg7[%while3A_70, %dma_wait3A, %dma_wait3A_124] : memref<80x1x128xi32, #tpu.memory_space<vmem>> -> memref<1x1x128xi32, #tpu.memory_space<vmem>>
        %dma_wait3A_126 = tpu.memref_squeeze %dma_wait3A_125 : memref<1x1x128xi32, #tpu.memory_space<vmem>> -> memref<128xi32, #tpu.memory_space<vmem>>
        %dma_wait3A_127 = arith.constant 0 : i32
        %dma_wait3A_128 = arith.constant 0 : i32
        %dma_wait3A_129 = tpu.memref_slice %arg2[%dma_wait3A_127, %dma_wait3A_128] : memref<10000x128xf32, #tpu.memory_space<hbm>> -> memref<10000x128xf32, #tpu.memory_space<hbm>>
        tpu.wait_indirect_dma semaphore(%arg13 : memref<!tpu.dma_semaphore, #tpu.memory_space<semaphore_mem>>) src(%dma_wait3A_129 : memref<10000x128xf32, #tpu.memory_space<hbm>>) dst(%arg10 : memref<128x128xf32, #tpu.memory_space<vmem>>)
      } else {
      }
      %and3A_96 = arith.andi %eq3A_84, %lt3A_87 : i1
      %convert_element_type3A_97 = arith.extui %and3A_96 : i1 to i32
      %cond3A_98 = arith.constant 0 : i32
      %cond3A_99 = arith.cmpi ne, %convert_element_type3A_97, %cond3A_98 : i32
      scf.if %cond3A_99 {
        %add3A_124 = arith.constant 1 : i32
        %add3A_125 = arith.addi %while3A_70, %add3A_124 : i32
        %dma_start3A_126 = arith.constant 0 : i32
        %dma_start3A_127 = arith.constant 0 : i32
        %dma_start3A_128 = tpu.memref_slice %arg7[%add3A_125, %dma_start3A_126, %dma_start3A_127] : memref<80x1x128xi32, #tpu.memory_space<vmem>> -> memref<1x1x128xi32, #tpu.memory_space<vmem>>
        %dma_start3A_129 = tpu.memref_squeeze %dma_start3A_128 : memref<1x1x128xi32, #tpu.memory_space<vmem>> -> memref<128xi32, #tpu.memory_space<vmem>>
        %dma_start3A_130 = arith.constant 0 : i32
        %dma_start3A_131 = arith.constant 0 : i32
        %dma_start3A_132 = tpu.memref_slice %arg2[%dma_start3A_130, %dma_start3A_131] : memref<10000x128xf32, #tpu.memory_space<hbm>> -> memref<10000x128xf32, #tpu.memory_space<hbm>>
        tpu.enqueue_indirect_dma source(%dma_start3A_132 : memref<10000x128xf32, #tpu.memory_space<hbm>>) target(%arg10 : memref<128x128xf32, #tpu.memory_space<vmem>>) offsets(%dma_start3A_129 : memref<128xi32, #tpu.memory_space<vmem>>) semaphore(%arg13 : memref<!tpu.dma_semaphore, #tpu.memory_space<semaphore_mem>>)
      } else {
      }
      %not3A_100 = arith.constant true
      %not3A_101 = arith.xori %eq3A_84, %not3A_100 : i1
      %and3A_102 = arith.andi %not3A_101, %lt3A_87 : i1
      %convert_element_type3A_103 = arith.extui %and3A_102 : i1 to i32
      %cond3A_104 = arith.constant 0 : i32
      %cond3A_105 = arith.cmpi ne, %convert_element_type3A_103, %cond3A_104 : i32
      scf.if %cond3A_105 {
        %add3A_124 = arith.constant 1 : i32
        %add3A_125 = arith.addi %while3A_70, %add3A_124 : i32
        %dma_start3A_126 = arith.constant 0 : i32
        %dma_start3A_127 = arith.constant 0 : i32
        %dma_start3A_128 = tpu.memref_slice %arg7[%add3A_125, %dma_start3A_126, %dma_start3A_127] : memref<80x1x128xi32, #tpu.memory_space<vmem>> -> memref<1x1x128xi32, #tpu.memory_space<vmem>>
        %dma_start3A_129 = tpu.memref_squeeze %dma_start3A_128 : memref<1x1x128xi32, #tpu.memory_space<vmem>> -> memref<128xi32, #tpu.memory_space<vmem>>
        %dma_start3A_130 = arith.constant 0 : i32
        %dma_start3A_131 = arith.constant 0 : i32
        %dma_start3A_132 = tpu.memref_slice %arg2[%dma_start3A_130, %dma_start3A_131] : memref<10000x128xf32, #tpu.memory_space<hbm>> -> memref<10000x128xf32, #tpu.memory_space<hbm>>
        tpu.enqueue_indirect_dma source(%dma_start3A_132 : memref<10000x128xf32, #tpu.memory_space<hbm>>) target(%arg9 : memref<128x128xf32, #tpu.memory_space<vmem>>) offsets(%dma_start3A_129 : memref<128xi32, #tpu.memory_space<vmem>>) semaphore(%arg12 : memref<!tpu.dma_semaphore, #tpu.memory_space<semaphore_mem>>)
      } else {
      }
      %convert_element_type3A_106 = arith.extui %eq3A_84 : i1 to i32
      %cond3A_107 = arith.constant 0 : i32
      %cond3A_108 = arith.cmpi ne, %convert_element_type3A_106, %cond3A_107 : i32
      scf.if %cond3A_108 {
        %add3A_124 = arith.addi %add3A_4, %while3A_70 : i32
        %dma_wait3A = arith.constant 0 : i32
        %dma_wait3A_125 = arith.constant 0 : i32
        %dma_wait3A_126 = arith.constant 0 : i32
        %dma_wait3A_127 = tpu.memref_slice %arg8[%dma_wait3A, %dma_wait3A_125, %dma_wait3A_126] : memref<2x1x128xi32, #tpu.memory_space<vmem>> -> memref<1x1x128xi32, #tpu.memory_space<vmem>>
        %dma_wait3A_128 = tpu.memref_squeeze %dma_wait3A_127 : memref<1x1x128xi32, #tpu.memory_space<vmem>> -> memref<1x128xi32, #tpu.memory_space<vmem>>
        %dma_wait3A_129 = arith.constant 0 : i32
        %dma_wait3A_130 = arith.constant 0 : i32
        %dma_wait3A_131 = tpu.memref_slice %arg4[%add3A_124, %dma_wait3A_129, %dma_wait3A_130] : memref<2500x1x128xi32, #tpu.memory_space<hbm>> -> memref<1x1x128xi32, #tpu.memory_space<hbm>>
        %dma_wait3A_132 = tpu.memref_squeeze %dma_wait3A_131 : memref<1x1x128xi32, #tpu.memory_space<hbm>> -> memref<1x128xi32, #tpu.memory_space<hbm>>
        %dma_wait3A_133 = arith.constant 0 : i32
        %dma_wait3A_134 = arith.constant 0 : i32
        %dma_wait3A_135 = tpu.memref_slice %arg8[%dma_wait3A, %dma_wait3A_133, %dma_wait3A_134] : memref<2x1x128xi32, #tpu.memory_space<vmem>> -> memref<1x1x128xi32, #tpu.memory_space<vmem>>
        %dma_wait3A_136 = tpu.memref_squeeze %dma_wait3A_135 : memref<1x1x128xi32, #tpu.memory_space<vmem>> -> memref<1x128xi32, #tpu.memory_space<vmem>>
        %dma_wait3A_137 = arith.constant 0 : i32
        %dma_wait3A_138 = arith.constant 0 : i32
        %dma_wait3A_139 = tpu.memref_slice %arg4[%add3A_124, %dma_wait3A_137, %dma_wait3A_138] : memref<2500x1x128xi32, #tpu.memory_space<hbm>> -> memref<1x1x128xi32, #tpu.memory_space<hbm>>
        %dma_wait3A_140 = tpu.memref_squeeze %dma_wait3A_139 : memref<1x1x128xi32, #tpu.memory_space<hbm>> -> memref<1x128xi32, #tpu.memory_space<hbm>>
        tpu.wait_dma2 semaphore(%arg14 : memref<!tpu.dma_semaphore, #tpu.memory_space<semaphore_mem>>) src(%dma_wait3A_140 : memref<1x128xi32, #tpu.memory_space<hbm>>) dst(%dma_wait3A_136 : memref<1x128xi32, #tpu.memory_space<vmem>>)
        %run_scoped3A = arith.constant 0 : i32
        %run_scoped3A_141 = arith.constant 0 : i32
        "tpu.region"() ({
          %run_scoped3A_142 = tpu.sem_alloc : memref<!tpu.dma_semaphore, #tpu.memory_space<semaphore_mem>>
          %dma_start3A_143 = arith.constant 0 : i32
          %dma_start3A_144 = tpu.memref_slice %arg8[%run_scoped3A, %run_scoped3A_141, %dma_start3A_143] : memref<2x1x128xi32, #tpu.memory_space<vmem>> -> memref<1x1x128xi32, #tpu.memory_space<vmem>>
          %dma_start3A_145 = tpu.memref_squeeze %dma_start3A_144 : memref<1x1x128xi32, #tpu.memory_space<vmem>> -> memref<128xi32, #tpu.memory_space<vmem>>
          %dma_start3A_146 = arith.constant 0 : i32
          %dma_start3A_147 = arith.constant 0 : i32
          %dma_start3A_148 = tpu.memref_slice %arg11[%dma_start3A_146, %dma_start3A_147] : memref<10240x128xf32, #tpu.memory_space<vmem_shared>> -> memref<10240x128xf32, #tpu.memory_space<vmem_shared>>
          tpu.enqueue_indirect_dma source(%arg9 : memref<128x128xf32, #tpu.memory_space<vmem>>) target(%dma_start3A_148 : memref<10240x128xf32, #tpu.memory_space<vmem_shared>>) offsets(%dma_start3A_145 : memref<128xi32, #tpu.memory_space<vmem>>) semaphore(%run_scoped3A_142 : memref<!tpu.dma_semaphore, #tpu.memory_space<semaphore_mem>>) {add = true}
          %dma_wait3A_149 = arith.constant 0 : i32
          %dma_wait3A_150 = tpu.memref_slice %arg8[%run_scoped3A, %run_scoped3A_141, %dma_wait3A_149] : memref<2x1x128xi32, #tpu.memory_space<vmem>> -> memref<1x1x128xi32, #tpu.memory_space<vmem>>
          %dma_wait3A_151 = tpu.memref_squeeze %dma_wait3A_150 : memref<1x1x128xi32, #tpu.memory_space<vmem>> -> memref<128xi32, #tpu.memory_space<vmem>>
          %dma_wait3A_152 = arith.constant 0 : i32
          %dma_wait3A_153 = arith.constant 0 : i32
          %dma_wait3A_154 = tpu.memref_slice %arg11[%dma_wait3A_152, %dma_wait3A_153] : memref<10240x128xf32, #tpu.memory_space<vmem_shared>> -> memref<10240x128xf32, #tpu.memory_space<vmem_shared>>
          tpu.wait_indirect_dma semaphore(%run_scoped3A_142 : memref<!tpu.dma_semaphore, #tpu.memory_space<semaphore_mem>>) src(%arg9 : memref<128x128xf32, #tpu.memory_space<vmem>>) dst(%dma_wait3A_154 : memref<10240x128xf32, #tpu.memory_space<vmem_shared>>)
          tpu.yield
        }) : () -> ()
      } else {
      }
      %not3A_109 = arith.constant true
      %not3A_110 = arith.xori %eq3A_84, %not3A_109 : i1
      %convert_element_type3A_111 = arith.extui %not3A_110 : i1 to i32
      %cond3A_112 = arith.constant 0 : i32
      %cond3A_113 = arith.cmpi ne, %convert_element_type3A_111, %cond3A_112 : i32
      scf.if %cond3A_113 {
        %add3A_124 = arith.addi %add3A_4, %while3A_70 : i32
        %dma_wait3A = arith.constant 1 : i32
        %dma_wait3A_125 = arith.constant 0 : i32
        %dma_wait3A_126 = arith.constant 0 : i32
        %dma_wait3A_127 = tpu.memref_slice %arg8[%dma_wait3A, %dma_wait3A_125, %dma_wait3A_126] : memref<2x1x128xi32, #tpu.memory_space<vmem>> -> memref<1x1x128xi32, #tpu.memory_space<vmem>>
        %dma_wait3A_128 = tpu.memref_squeeze %dma_wait3A_127 : memref<1x1x128xi32, #tpu.memory_space<vmem>> -> memref<1x128xi32, #tpu.memory_space<vmem>>
        %dma_wait3A_129 = arith.constant 0 : i32
        %dma_wait3A_130 = arith.constant 0 : i32
        %dma_wait3A_131 = tpu.memref_slice %arg4[%add3A_124, %dma_wait3A_129, %dma_wait3A_130] : memref<2500x1x128xi32, #tpu.memory_space<hbm>> -> memref<1x1x128xi32, #tpu.memory_space<hbm>>
        %dma_wait3A_132 = tpu.memref_squeeze %dma_wait3A_131 : memref<1x1x128xi32, #tpu.memory_space<hbm>> -> memref<1x128xi32, #tpu.memory_space<hbm>>
        %dma_wait3A_133 = arith.constant 0 : i32
        %dma_wait3A_134 = arith.constant 0 : i32
        %dma_wait3A_135 = tpu.memref_slice %arg8[%dma_wait3A, %dma_wait3A_133, %dma_wait3A_134] : memref<2x1x128xi32, #tpu.memory_space<vmem>> -> memref<1x1x128xi32, #tpu.memory_space<vmem>>
        %dma_wait3A_136 = tpu.memref_squeeze %dma_wait3A_135 : memref<1x1x128xi32, #tpu.memory_space<vmem>> -> memref<1x128xi32, #tpu.memory_space<vmem>>
        %dma_wait3A_137 = arith.constant 0 : i32
        %dma_wait3A_138 = arith.constant 0 : i32
        %dma_wait3A_139 = tpu.memref_slice %arg4[%add3A_124, %dma_wait3A_137, %dma_wait3A_138] : memref<2500x1x128xi32, #tpu.memory_space<hbm>> -> memref<1x1x128xi32, #tpu.memory_space<hbm>>
        %dma_wait3A_140 = tpu.memref_squeeze %dma_wait3A_139 : memref<1x1x128xi32, #tpu.memory_space<hbm>> -> memref<1x128xi32, #tpu.memory_space<hbm>>
        tpu.wait_dma2 semaphore(%arg15 : memref<!tpu.dma_semaphore, #tpu.memory_space<semaphore_mem>>) src(%dma_wait3A_140 : memref<1x128xi32, #tpu.memory_space<hbm>>) dst(%dma_wait3A_136 : memref<1x128xi32, #tpu.memory_space<vmem>>)
        %run_scoped3A = arith.constant 1 : i32
        %run_scoped3A_141 = arith.constant 0 : i32
        "tpu.region"() ({
          %run_scoped3A_142 = tpu.sem_alloc : memref<!tpu.dma_semaphore, #tpu.memory_space<semaphore_mem>>
          %dma_start3A_143 = arith.constant 0 : i32
          %dma_start3A_144 = tpu.memref_slice %arg8[%run_scoped3A, %run_scoped3A_141, %dma_start3A_143] : memref<2x1x128xi32, #tpu.memory_space<vmem>> -> memref<1x1x128xi32, #tpu.memory_space<vmem>>
          %dma_start3A_145 = tpu.memref_squeeze %dma_start3A_144 : memref<1x1x128xi32, #tpu.memory_space<vmem>> -> memref<128xi32, #tpu.memory_space<vmem>>
          %dma_start3A_146 = arith.constant 0 : i32
          %dma_start3A_147 = arith.constant 0 : i32
          %dma_start3A_148 = tpu.memref_slice %arg11[%dma_start3A_146, %dma_start3A_147] : memref<10240x128xf32, #tpu.memory_space<vmem_shared>> -> memref<10240x128xf32, #tpu.memory_space<vmem_shared>>
          tpu.enqueue_indirect_dma source(%arg10 : memref<128x128xf32, #tpu.memory_space<vmem>>) target(%dma_start3A_148 : memref<10240x128xf32, #tpu.memory_space<vmem_shared>>) offsets(%dma_start3A_145 : memref<128xi32, #tpu.memory_space<vmem>>) semaphore(%run_scoped3A_142 : memref<!tpu.dma_semaphore, #tpu.memory_space<semaphore_mem>>) {add = true}
          %dma_wait3A_149 = arith.constant 0 : i32
          %dma_wait3A_150 = tpu.memref_slice %arg8[%run_scoped3A, %run_scoped3A_141, %dma_wait3A_149] : memref<2x1x128xi32, #tpu.memory_space<vmem>> -> memref<1x1x128xi32, #tpu.memory_space<vmem>>
          %dma_wait3A_151 = tpu.memref_squeeze %dma_wait3A_150 : memref<1x1x128xi32, #tpu.memory_space<vmem>> -> memref<128xi32, #tpu.memory_space<vmem>>
          %dma_wait3A_152 = arith.constant 0 : i32
          %dma_wait3A_153 = arith.constant 0 : i32
          %dma_wait3A_154 = tpu.memref_slice %arg11[%dma_wait3A_152, %dma_wait3A_153] : memref<10240x128xf32, #tpu.memory_space<vmem_shared>> -> memref<10240x128xf32, #tpu.memory_space<vmem_shared>>
          tpu.wait_indirect_dma semaphore(%run_scoped3A_142 : memref<!tpu.dma_semaphore, #tpu.memory_space<semaphore_mem>>) src(%arg10 : memref<128x128xf32, #tpu.memory_space<vmem>>) dst(%dma_wait3A_154 : memref<10240x128xf32, #tpu.memory_space<vmem_shared>>)
          tpu.yield
        }) : () -> ()
      } else {
      }
      %and3A_114 = arith.andi %eq3A_84, %lt3A_90 : i1
      %convert_element_type3A_115 = arith.extui %and3A_114 : i1 to i32
      %cond3A_116 = arith.constant 0 : i32
      %cond3A_117 = arith.cmpi ne, %convert_element_type3A_115, %cond3A_116 : i32
      scf.if %cond3A_117 {
        %add3A_124 = arith.addi %add3A_4, %while3A_70 : i32
        %add3A_125 = arith.constant 2 : i32
        %add3A_126 = arith.addi %add3A_124, %add3A_125 : i32
        %dma_start3A_127 = arith.constant 0 : i32
        %dma_start3A_128 = arith.constant 0 : i32
        %dma_start3A_129 = arith.constant 0 : i32
        %dma_start3A_130 = tpu.memref_slice %arg8[%dma_start3A_127, %dma_start3A_128, %dma_start3A_129] : memref<2x1x128xi32, #tpu.memory_space<vmem>> -> memref<1x1x128xi32, #tpu.memory_space<vmem>>
        %dma_start3A_131 = tpu.memref_squeeze %dma_start3A_130 : memref<1x1x128xi32, #tpu.memory_space<vmem>> -> memref<1x128xi32, #tpu.memory_space<vmem>>
        %dma_start3A_132 = arith.constant 0 : i32
        %dma_start3A_133 = arith.constant 0 : i32
        %dma_start3A_134 = tpu.memref_slice %arg4[%add3A_126, %dma_start3A_132, %dma_start3A_133] : memref<2500x1x128xi32, #tpu.memory_space<hbm>> -> memref<1x1x128xi32, #tpu.memory_space<hbm>>
        %dma_start3A_135 = tpu.memref_squeeze %dma_start3A_134 : memref<1x1x128xi32, #tpu.memory_space<hbm>> -> memref<1x128xi32, #tpu.memory_space<hbm>>
        %dma_start3A_136 = arith.constant 0 : i32
        %dma_start3A_137 = arith.constant 0 : i32
        %dma_start3A_138 = tpu.memref_slice %arg8[%dma_start3A_127, %dma_start3A_136, %dma_start3A_137] : memref<2x1x128xi32, #tpu.memory_space<vmem>> -> memref<1x1x128xi32, #tpu.memory_space<vmem>>
        %dma_start3A_139 = tpu.memref_squeeze %dma_start3A_138 : memref<1x1x128xi32, #tpu.memory_space<vmem>> -> memref<1x128xi32, #tpu.memory_space<vmem>>
        %dma_start3A_140 = arith.constant 0 : i32
        %dma_start3A_141 = arith.constant 0 : i32
        %dma_start3A_142 = tpu.memref_slice %arg4[%add3A_126, %dma_start3A_140, %dma_start3A_141] : memref<2500x1x128xi32, #tpu.memory_space<hbm>> -> memref<1x1x128xi32, #tpu.memory_space<hbm>>
        %dma_start3A_143 = tpu.memref_squeeze %dma_start3A_142 : memref<1x1x128xi32, #tpu.memory_space<hbm>> -> memref<1x128xi32, #tpu.memory_space<hbm>>
        tpu.enqueue_dma source(%dma_start3A_143 : memref<1x128xi32, #tpu.memory_space<hbm>>) target(%dma_start3A_139 : memref<1x128xi32, #tpu.memory_space<vmem>>) target_semaphore(%arg14 : memref<!tpu.dma_semaphore, #tpu.memory_space<semaphore_mem>>)
      } else {
      }
      %not3A_118 = arith.constant true
      %not3A_119 = arith.xori %eq3A_84, %not3A_118 : i1
      %and3A_120 = arith.andi %not3A_119, %lt3A_90 : i1
      %convert_element_type3A_121 = arith.extui %and3A_120 : i1 to i32
      %cond3A_122 = arith.constant 0 : i32
      %cond3A_123 = arith.cmpi ne, %convert_element_type3A_121, %cond3A_122 : i32
      scf.if %cond3A_123 {
        %add3A_124 = arith.addi %add3A_4, %while3A_70 : i32
        %add3A_125 = arith.constant 2 : i32
        %add3A_126 = arith.addi %add3A_124, %add3A_125 : i32
        %dma_start3A_127 = arith.constant 1 : i32
        %dma_start3A_128 = arith.constant 0 : i32
        %dma_start3A_129 = arith.constant 0 : i32
        %dma_start3A_130 = tpu.memref_slice %arg8[%dma_start3A_127, %dma_start3A_128, %dma_start3A_129] : memref<2x1x128xi32, #tpu.memory_space<vmem>> -> memref<1x1x128xi32, #tpu.memory_space<vmem>>
        %dma_start3A_131 = tpu.memref_squeeze %dma_start3A_130 : memref<1x1x128xi32, #tpu.memory_space<vmem>> -> memref<1x128xi32, #tpu.memory_space<vmem>>
        %dma_start3A_132 = arith.constant 0 : i32
        %dma_start3A_133 = arith.constant 0 : i32
        %dma_start3A_134 = tpu.memref_slice %arg4[%add3A_126, %dma_start3A_132, %dma_start3A_133] : memref<2500x1x128xi32, #tpu.memory_space<hbm>> -> memref<1x1x128xi32, #tpu.memory_space<hbm>>
        %dma_start3A_135 = tpu.memref_squeeze %dma_start3A_134 : memref<1x1x128xi32, #tpu.memory_space<hbm>> -> memref<1x128xi32, #tpu.memory_space<hbm>>
        %dma_start3A_136 = arith.constant 0 : i32
        %dma_start3A_137 = arith.constant 0 : i32
        %dma_start3A_138 = tpu.memref_slice %arg8[%dma_start3A_127, %dma_start3A_136, %dma_start3A_137] : memref<2x1x128xi32, #tpu.memory_space<vmem>> -> memref<1x1x128xi32, #tpu.memory_space<vmem>>
        %dma_start3A_139 = tpu.memref_squeeze %dma_start3A_138 : memref<1x1x128xi32, #tpu.memory_space<vmem>> -> memref<1x128xi32, #tpu.memory_space<vmem>>
        %dma_start3A_140 = arith.constant 0 : i32
        %dma_start3A_141 = arith.constant 0 : i32
        %dma_start3A_142 = tpu.memref_slice %arg4[%add3A_126, %dma_start3A_140, %dma_start3A_141] : memref<2500x1x128xi32, #tpu.memory_space<hbm>> -> memref<1x1x128xi32, #tpu.memory_space<hbm>>
        %dma_start3A_143 = tpu.memref_squeeze %dma_start3A_142 : memref<1x1x128xi32, #tpu.memory_space<hbm>> -> memref<1x128xi32, #tpu.memory_space<hbm>>
        tpu.enqueue_dma source(%dma_start3A_143 : memref<1x128xi32, #tpu.memory_space<hbm>>) target(%dma_start3A_139 : memref<1x128xi32, #tpu.memory_space<vmem>>) target_semaphore(%arg15 : memref<!tpu.dma_semaphore, #tpu.memory_space<semaphore_mem>>)
      } else {
      }
    }
    %barrier3A_65 = arith.constant 0 : index
    tpu.barrier barrier_id(%barrier3A_65)
    %mul3A_66 = arith.constant 640 : i32
    %mul3A_67 = arith.muli %arg1, %mul3A_66 : i32
    %mul3A_68 = arith.constant 640 : i32
    %mul3A_69 = arith.muli %arg1, %mul3A_68 : i32
    "tpu.region"() ({
      %run_scoped3A = tpu.sem_alloc : memref<!tpu.dma_semaphore, #tpu.memory_space<semaphore_mem>>
      %dma_start3A_70 = arith.constant 0 : i32
      %dma_start3A_71 = tpu.memref_slice %arg6[%arg0, %mul3A_69, %dma_start3A_70] : memref<2x10240x128xf32, #tpu.memory_space<hbm>> -> memref<1x640x128xf32, #tpu.memory_space<hbm>>
      %dma_start3A_72 = tpu.memref_squeeze %dma_start3A_71 : memref<1x640x128xf32, #tpu.memory_space<hbm>> -> memref<640x128xf32, #tpu.memory_space<hbm>>
      %dma_start3A_73 = arith.constant 0 : i32
      %dma_start3A_74 = tpu.memref_slice %arg11[%mul3A_67, %dma_start3A_73] : memref<10240x128xf32, #tpu.memory_space<vmem_shared>> -> memref<640x128xf32, #tpu.memory_space<vmem_shared>>
      tpu.enqueue_dma source(%dma_start3A_74 : memref<640x128xf32, #tpu.memory_space<vmem_shared>>) target(%dma_start3A_72 : memref<640x128xf32, #tpu.memory_space<hbm>>) target_semaphore(%run_scoped3A : memref<!tpu.dma_semaphore, #tpu.memory_space<semaphore_mem>>)
      %dma_wait3A = arith.constant 0 : i32
      %dma_wait3A_75 = tpu.memref_slice %arg6[%arg0, %mul3A_69, %dma_wait3A] : memref<2x10240x128xf32, #tpu.memory_space<hbm>> -> memref<1x640x128xf32, #tpu.memory_space<hbm>>
      %dma_wait3A_76 = tpu.memref_squeeze %dma_wait3A_75 : memref<1x640x128xf32, #tpu.memory_space<hbm>> -> memref<640x128xf32, #tpu.memory_space<hbm>>
      %dma_wait3A_77 = arith.constant 0 : i32
      %dma_wait3A_78 = tpu.memref_slice %arg11[%mul3A_67, %dma_wait3A_77] : memref<10240x128xf32, #tpu.memory_space<vmem_shared>> -> memref<640x128xf32, #tpu.memory_space<vmem_shared>>
      tpu.wait_dma2 semaphore(%run_scoped3A : memref<!tpu.dma_semaphore, #tpu.memory_space<semaphore_mem>>) src(%dma_wait3A_78 : memref<640x128xf32, #tpu.memory_space<vmem_shared>>) dst(%dma_wait3A_76 : memref<640x128xf32, #tpu.memory_space<hbm>>)
      tpu.yield
    }) : () -> ()
    return
  }
}

module attributes {stable_mosaic.version = 14 : i64} {
  func.func @_mm_relu_body(%arg0: i32, %arg1: memref<1000x128xf32, #tpu.memory_space<vmem>>, %arg2: memref<128x128xf32, #tpu.memory_space<vmem>>, %arg3: memref<1000x128xf32, #tpu.memory_space<vmem>>) attributes {dimension_semantics = [#tpu.dimension_semantics<arbitrary>], iteration_bounds = array<i64: 10>, scalar_prefetch = 0 : i64, scratch_operands = 0 : i64, tpu.core_type = #tpu.core_type<tc>, window_params = [{transform_indices = @transform_0, window_bounds = array<i64: 1000, 128>}, {pipeline_mode = #tpu.pipeline_mode<synchronous>, transform_indices = @transform_1, window_bounds = array<i64: 128, 128>}, {transform_indices = @transform_2, window_bounds = array<i64: 1000, 128>}]} {
    %get3A = arith.constant 0 : index
    %get3A_0 = arith.constant 0 : index
    %get3A_1 = vector.load %arg1[%get3A, %get3A_0] : memref<1000x128xf32, #tpu.memory_space<vmem>>, vector<1000x128xf32>
    %get3A_2 = arith.constant 0 : index
    %get3A_3 = arith.constant 0 : index
    %get3A_4 = vector.load %arg2[%get3A_2, %get3A_3] : memref<128x128xf32, #tpu.memory_space<vmem>>, vector<128x128xf32>
    %dot_general3A = arith.constant dense<0.000000e+00> : vector<1000x128xf32>
    %dot_general3A_5 = tpu.matmul %get3A_1, %get3A_4, %dot_general3A {dimension_numbers = #tpu.dot_dimension_numbers<[1], [0], [0], [1], [0, 0, 1, 1], [], []>, transpose_lhs_hint = false} : vector<1000x128xf32>, vector<128x128xf32>, vector<1000x128xf32> -> vector<1000x128xf32>
    %max3A = arith.constant 0.000000e+00 : f32
    %max3A_6 = vector.broadcast %max3A : f32 to vector<1000x128xf32>
    %max3A_7 = arith.maximumf %dot_general3A_5, %max3A_6 : vector<1000x128xf32>
    %swap3A = arith.constant 0 : index
    %swap3A_8 = arith.constant 0 : index
    %swap3A_9 = vector.load %arg3[%swap3A, %swap3A_8] : memref<1000x128xf32, #tpu.memory_space<vmem>>, vector<1000x128xf32>
    tpu.vector_store %arg3[%swap3A, %swap3A_8], %max3A_7 {strides = array<i32>} : memref<1000x128xf32, #tpu.memory_space<vmem>>, vector<1000x128xf32>,
    return
  }
  func.func @transform_0(%arg0: i32) -> (i32, i32) {
    %c0_i32 = arith.constant 0 : i32
    %c0_i32_0 = arith.constant 0 : i32
    return %arg0, %c0_i32 : i32, i32
  }
  func.func @transform_1(%arg0: i32) -> (i32, i32) {
    %c0_i32 = arith.constant 0 : i32
    %c0_i32_0 = arith.constant 0 : i32
    %c0_i32_1 = arith.constant 0 : i32
    return %c0_i32, %c0_i32_0 : i32, i32
  }
  func.func @transform_2(%arg0: i32) -> (i32, i32) {
    %c0_i32 = arith.constant 0 : i32
    %c0_i32_0 = arith.constant 0 : i32
    return %arg0, %c0_i32 : i32, i32
  }
}

module attributes {stable_mosaic.version = 14 : i64} {
  func.func @_mm_sum_body(%arg0: i32, %arg1: memref<1000x128xf32, #tpu.memory_space<vmem>>, %arg2: memref<1000x128xf32, #tpu.memory_space<vmem>>, %arg3: memref<128x128xf32, #tpu.memory_space<vmem>>, %arg4: memref<1000x128xf32, #tpu.memory_space<vmem>>) attributes {dimension_semantics = [#tpu.dimension_semantics<arbitrary>], iteration_bounds = array<i64: 10>, scalar_prefetch = 0 : i64, scratch_operands = 0 : i64, tpu.core_type = #tpu.core_type<tc>, window_params = [{transform_indices = @transform_0, window_bounds = array<i64: 1000, 128>}, {transform_indices = @transform_1, window_bounds = array<i64: 1000, 128>}, {pipeline_mode = #tpu.pipeline_mode<synchronous>, transform_indices = @transform_2, window_bounds = array<i64: 128, 128>}, {transform_indices = @transform_3, window_bounds = array<i64: 1000, 128>}]} {
    %get3A = arith.constant 0 : index
    %get3A_0 = arith.constant 0 : index
    %get3A_1 = vector.load %arg1[%get3A, %get3A_0] : memref<1000x128xf32, #tpu.memory_space<vmem>>, vector<1000x128xf32>
    %get3A_2 = arith.constant 0 : index
    %get3A_3 = arith.constant 0 : index
    %get3A_4 = vector.load %arg2[%get3A_2, %get3A_3] : memref<1000x128xf32, #tpu.memory_space<vmem>>, vector<1000x128xf32>
    %add3A = arith.addf %get3A_1, %get3A_4 : vector<1000x128xf32>
    %get3A_5 = arith.constant 0 : index
    %get3A_6 = arith.constant 0 : index
    %get3A_7 = vector.load %arg3[%get3A_5, %get3A_6] : memref<128x128xf32, #tpu.memory_space<vmem>>, vector<128x128xf32>
    %dot_general3A = arith.constant dense<0.000000e+00> : vector<1000x128xf32>
    %dot_general3A_8 = tpu.matmul %add3A, %get3A_7, %dot_general3A {dimension_numbers = #tpu.dot_dimension_numbers<[1], [0], [0], [1], [0, 0, 1, 1], [], []>, transpose_lhs_hint = false} : vector<1000x128xf32>, vector<128x128xf32>, vector<1000x128xf32> -> vector<1000x128xf32>
    %swap3A = arith.constant 0 : index
    %swap3A_9 = arith.constant 0 : index
    %swap3A_10 = vector.load %arg4[%swap3A, %swap3A_9] : memref<1000x128xf32, #tpu.memory_space<vmem>>, vector<1000x128xf32>
    tpu.vector_store %arg4[%swap3A, %swap3A_9], %dot_general3A_8 {strides = array<i32>} : memref<1000x128xf32, #tpu.memory_space<vmem>>, vector<1000x128xf32>,
    return
  }
  func.func @transform_0(%arg0: i32) -> (i32, i32) {
    %c0_i32 = arith.constant 0 : i32
    %c0_i32_0 = arith.constant 0 : i32
    return %arg0, %c0_i32 : i32, i32
  }
  func.func @transform_1(%arg0: i32) -> (i32, i32) {
    %c0_i32 = arith.constant 0 : i32
    %c0_i32_0 = arith.constant 0 : i32
    return %arg0, %c0_i32 : i32, i32
  }
  func.func @transform_2(%arg0: i32) -> (i32, i32) {
    %c0_i32 = arith.constant 0 : i32
    %c0_i32_0 = arith.constant 0 : i32
    %c0_i32_1 = arith.constant 0 : i32
    return %c0_i32, %c0_i32_0 : i32, i32
  }
  func.func @transform_3(%arg0: i32) -> (i32, i32) {
    %c0_i32 = arith.constant 0 : i32
    %c0_i32_0 = arith.constant 0 : i32
    return %arg0, %c0_i32 : i32, i32
  }
}

</mosaic_0001>

<sc_bundles>
// kernel: kernel.5.cloned.1.call-start
scs
__scs_entry_jumppad:
0x0: {  	(pc) =	sbr.rel $0x88, $3  }
0x1: {  	(tag) =	ssettag $0x0;
	lr =	simm.s32 $0x1  }
0x2: {  	[smem:$0x3F9D] =	sst lr;
	_ =	strace $0xD0000000  }
0x3: {  	_ = 	snop  }
0x4: {  	_ = 	snop  }
0x5: {  	_ = 	snop  }
0x6: {  	_ = 	snop  }
0x7: {  	_ = 	snop  }
__scs_overlays_trampoline_lowered:
0x8: {  	[smem:$0x3FAC] =	sst s0  }
0x9: {  	[smem:$0x3FAD] =	sst s1  }
0xa: {  	[smem:$0x3FAE] =	sst s2  }
0xb: {  	[smem:$0x3FAF] =	sst s3  }
0xc: {  	[smem:$0x3FB0] =	sst s4  }
0xd: {  	[smem:$0x3FB1] =	sst s5  }
0xe: {  	[smem:$0x3FB2] =	sst s6  }
0xf: {  	[smem:$0x3FB3] =	sst s7  }
0x10: {  	[smem:$0x3FB4] =	sst s8  }
0x11: {  	[smem:$0x3FB5] =	sst s9;
	s0 =	simm.s32 @!p0 $0x0  }
0x12: {  	s1 =	sld [smem:$0x3F9B];
	s0 =	simm.s32 @p0 $0x1  }
0x13: {  	[smem:$0x3FB6] =	sst s0;
	s0 =	simm.s32 @!p1 $0x0  }
0x14: {  	s2 =	sld [smem:$0x3F9A];
	s0 =	simm.s32 @p1 $0x1  }
0x15: {  	[smem:$0x3FB7] =	sst s0;
	s0 =	simm.s32 @!p2 $0x0  }
0x16: {  	s3 =	sld [smem:$0x3FDB];
	s0 =	simm.s32 @p2 $0x1  }
0x17: {  	s4 =	simm.s32 $0x1BF5;
	[smem:$0x3FB9] =	sst s0  }
0x18: {  	s0 =	sld [smem:$0x3F9C];
	_ =	swait.ge [sflag:s4], $0x0  }
0x19: {  	s7 =	sld [smem:$0x3F9D]  }
0x1a: {  	s8 =	sadd.s32 $0xFFFFE003, lr  }
0x1b: {  	s9 =	sadd.s32 $0xFFFFFEF7, lr;
	s5 =	simm.s32 $0xFFFFFFFF;
	p2 =	slt.u32 s8, $0xFFFFF086  }
0x1c: {  	p1 =	slt.u32 s9, $0xF7A;
	s5 =	simm.s32 @!p2 $0x0  }
0x1d: {  	s5 =	simm.s32 @p1 $0x1;
	p0 =	seq.s32 s7, s2  }
0x1e: {  	s7 =	smul.u32 @!p0 $0xF7A, s2;
	p2 =	seq.s32 @!p0 s5, $0x0  }
0x1f: {  	s9 =	smul.u32 $0xF7A, s1;
	s8 =	simm.s32 @!p0 $0x1BF5;
	p2 =	por !p2, p0  }
0x20: {  	[sflag:s8] =	ssyncset.s32 @!p0 $0xFFFFF086;
	s6 =	sadd.s32 @!p0 s3, s7;
	s7 =	simm.s32 @!p0 $0x108  }
0x21: {  	s3 =	sadd.s32 s3, s9;
	s6 =	sadd.s32 @!p0 $0x88, s6;
	s7 =	simm.s32 @p2 $0x1082  }
0x22: {  	[simem:s7], [sflag:s8] =	dma.local @!p0 [hbm:s6], $0xF7A  }
0x23: {  	s9 =	sor.u32 $0xD0000000, s2;
	s6 =	simm.s32 $0x108;
	_ =	swait.ge @!p0 [sflag:s8], $0x0  }
0x24: {  	s3 =	sadd.s32 $0x88, s3;
	s6 =	simm.s32 @!p1 $0x1082;
	[sflag:s4] =	ssyncset.s32 $0xFFFFF086  }
0x25: {  	[simem:s6], [sflag:s4] =	dma.local [hbm:s3], $0xF7A  }
0x26: {  	[smem:$0x3F9D] =	sst s1;
	(tag) =	ssettag s2;
	_ =	strace s9  }
0x27: {  	s1 =	sld [smem:$0x3FAD]  }
0x28: {  	s2 =	sld [smem:$0x3FAE]  }
0x29: {  	s4 =	sld [smem:$0x3FB0]  }
0x2a: {  	p0 =	seq.s32 s5, $0x0;
	s5 =	sld [smem:$0x3FB1]  }
0x2b: {  	s6 =	sld [smem:$0x3FB2]  }
0x2c: {  	s7 =	sld [smem:$0x3FB3]  }
0x2d: {  	s3 =	simm.s32 $0x108;
	s8 =	sld [smem:$0x3FB4]  }
0x2e: {  	s3 =	simm.s32 @!p0 $0x1082;
	s9 =	sld [smem:$0x3FB5]  }
0x2f: {  	lr =	sadd.s32 s0, s3;
	s0 =	sld [smem:$0x3FAC]  }
0x30: {  	s3 =	sld [smem:$0x3FAF]  }
0x31: {  	[smem:$0x3FB8] =	sst s10  }
0x32: {  	s10 =	sld [smem:$0x3FB6];
	_ =	sdelay $0x3  }
0x33: {  	p0 =	seq.s32 s10, $0x1;
	s10 =	sld [smem:$0x3FB8];
	_ =	sdelay $0x3  }
0x34: {  	[smem:$0x3FB8] =	sst s10  }
0x35: {  	s10 =	sld [smem:$0x3FB7];
	_ =	sdelay $0x3  }
0x36: {  	p1 =	seq.s32 s10, $0x1;
	s10 =	sld [smem:$0x3FB8];
	_ =	sdelay $0x3  }
0x37: {  	[smem:$0x3FB8] =	sst s10  }
0x38: {  	s10 =	sld [smem:$0x3FB9]  }
0x39: {  	_ = 	snop;
	(pc) =	sbr.ind lr, $3  }
0x3a: {  	_ = 	snop  }
0x3b: {  	_ = 	snop  }
0x3c: {  	p2 =	seq.s32 s10, $0x1;
	s10 =	sld [smem:$0x3FB8]  }
0x3d: {  	_ =	shalt  }
0x3e: {  	_ =	shalt  }
0x3f: {  	_ =	shalt  }
0x40: {  	_ =	shalt  }
0x41: {  	_ =	shalt  }
0x42: {  	_ =	shalt  }
0x43: {  	_ =	shalt  }
0x44: {  	_ =	shalt  }
0x45: {  	_ =	shalt  }
0x46: {  	_ =	shalt  }
0x47: {  	_ =	shalt  }
0x48: {  	_ =	shalt  }
0x49: {  	_ =	shalt  }
0x4a: {  	_ =	shalt  }
0x4b: {  	_ =	shalt  }
0x4c: {  	_ =	shalt  }
0x4d: {  	_ =	shalt  }
0x4e: {  	_ =	shalt  }
0x4f: {  	_ =	shalt  }
0x50: {  	_ =	shalt  }
0x51: {  	_ =	shalt  }
0x52: {  	_ =	shalt  }
0x53: {  	_ =	shalt  }
0x54: {  	_ =	shalt  }
0x55: {  	_ =	shalt  }
0x56: {  	_ =	shalt  }
0x57: {  	_ =	shalt  }
0x58: {  	_ =	shalt  }
0x59: {  	_ =	shalt  }
0x5a: {  	_ =	shalt  }
0x5b: {  	_ =	shalt  }
0x5c: {  	_ =	shalt  }
0x5d: {  	_ =	shalt  }
0x5e: {  	_ =	shalt  }
0x5f: {  	_ =	shalt  }
0x60: {  	_ =	shalt  }
0x61: {  	_ =	shalt  }
0x62: {  	_ =	shalt  }
0x63: {  	_ =	shalt  }
0x64: {  	_ =	shalt  }
0x65: {  	_ =	shalt  }
0x66: {  	_ =	shalt  }
0x67: {  	_ =	shalt  }
0x68: {  	_ =	shalt  }
0x69: {  	_ =	shalt  }
0x6a: {  	_ =	shalt  }
0x6b: {  	_ =	shalt  }
0x6c: {  	_ =	shalt  }
0x6d: {  	_ =	shalt  }
0x6e: {  	_ =	shalt  }
0x6f: {  	_ =	shalt  }
0x70: {  	_ =	shalt  }
0x71: {  	_ =	shalt  }
0x72: {  	_ =	shalt  }
0x73: {  	_ =	shalt  }
0x74: {  	_ =	shalt  }
0x75: {  	_ =	shalt  }
0x76: {  	_ =	shalt  }
0x77: {  	_ =	shalt  }
0x78: {  	_ =	shalt  }
0x79: {  	_ =	shalt  }
0x7a: {  	_ =	shalt  }
0x7b: {  	_ =	shalt  }
0x7c: {  	_ =	shalt  }
0x7d: {  	_ =	shalt  }
0x7e: {  	_ =	shalt  }
0x7f: {  	_ =	shalt  }
0x80: {  	_ =	shalt  }
0x81: {  	_ =	shalt  }
0x82: {  	_ =	shalt  }
0x83: {  	_ =	shalt  }
0x84: {  	_ =	shalt  }
0x85: {  	_ =	shalt  }
0x86: {  	_ =	shalt  }
0x87: {  	_ =	shalt  }
.Lfunc_end0:
.L_simem_size_0:
called_computation_lowered:
.L_overlay_start_0:
0x88: {  	s2 =	sld [smem:$0x3FD9]  }
0x89: {  	s3 =	sld [smem:$0x3FFE];
	_ =	sdelay $0x1  }
0x8a: {  	s1 =	srdreg.scid  }
0x8b: {  	s0 =	sand.u32 $0x1, s1  }
0x8c: {  	s17 =	sshll.u32 s0, $0xA;
	s2 =	sadd.s32 s3, s2  }
0x8d: {  	s2 =	sadd.s32 s2, s17  }
0x8e: {  	[smem:$0x3FC4] =	sst s2  }
0x8f: {  	_ = 	snop  }
0x90: {  	s2 =	sld [smem:$0x3FD0];
	(tm) =	ssettm $0x1  }
0x91: {  	s18 =	sld [smem:$0x3FFB];
	_ =	sdelay $0x3  }
0x92: {  	_ =	strace s18  }
0x93: {  	s3 =	sld [smem:$0x3FFC];
	_ =	sdelay $0x3  }
0x94: {  	_ =	strace s3  }
0x95: {  	s3 =	sld [smem:$0x3FFD];
	_ =	sdelay $0x3  }
0x96: {  	_ =	strace s3  }
0x97: {  	_ =	strace $0x8FFFFFFF  }
0x98: {  	s19 =	sld [smem:$0x3FDB];
	_ =	sdelay $0x1  }
0x99: {  	s4 =	simm.s32 $_scs_section_size  }
0x9a: {  	s5 =	simm.s32 $_size__tile_overlayer_lowered;
	s6 =	simm.s32 $_tile_overlayer_lowered  }
0x9b: {  	s22 =	simm.s32 $0x1BFF;
	s21 =	sshll.u32 s6, $0x1;
	s3 =	sadd.s32 s4, s19  }
0x9c: {  	s7 =	simm.s32 $0x0;
	s20 =	sshll.u32 s5, $0x1;
	s5 =	sadd.s32 s21, s3  }
0x9d: {  	[timem:s7], [sflag:s22] =	dma.local [hbm:s5], s20  }
0x9e: {  	_ =	swait.ge [sflag:s22], s20  }
0x9f: {  	s4 =	ssub.s32 $0x0, s20;
	[sflag:s22] =	ssyncset.done $0x0  }
0xa0: {  	[sflag:s22] =	ssyncadd.s32 s4;
	_ =	sdelay $0x1  }
0xa1: {  	s23 =	simm.s32 $0x1B8B  }
0xa2: {  	_ =	swait.ge [sflag:s23], $0x1  }
0xa3: {  	[sflag:s23] =	ssyncset.done $0x0  }
0xa4: {  	s25 =	simm.s32 $0x1B8E;
	s24 =	sld [smem:$0x3FFE];
	[sflag:s23] =	ssyncadd.s32 $0xFFFFFFFF  }
0xa5: {  	s26 =	simm.s32 $execute0_lowered;
	[smem:$0x3FD2] =	sst s25  }
0xa6: {  	s5 =	sshll.u32 s26, $0x1;
	_ =	strace $0x80000046;
	[dreg:$0x1] =	wrdreg $0xFFFFFFFF  }
0xa7: {  	s28 =	simm.s32 $_size_execute0_lowered;
	s3 =	sadd.s32 s3, s5;
	[dreg:$0x0] =	wrdreg $0x0  }
0xa8: {  	s5 =	sshll.u32 s28, $0x1;
	[dreg:$0x2] =	wrdreg s3  }
0xa9: {  	[dreg:$0x3] =	wrdreg s5  }
0xaa: {  	[dreg:$0x4] =	wrdreg $0xC0  }
0xab: {  	_ =	task [dreg:s7], $0x5FFFF  }
0xac: {  	[dreg:$0x1] =	wrdreg $0xFFFFFFFF  }
0xad: {  	[dreg:$0x0] =	wrdreg $0x60  }
0xae: {  	[dreg:$0x2] =	wrdreg s2  }
0xaf: {  	[dreg:$0x3] =	wrdreg s24  }
0xb0: {  	[dreg:$0x4] =	wrdreg $0xA9000  }
0xb1: {  	[dreg:$0x5] =	wrdreg $0x9  }
0xb2: {  	_ =	task.clear_ibuf [dreg:s7], $0x6FFFF;
	_ =	strace $0x90000046  }
0xb3: {  	s29 =	simm.s32 $0x9;
	_ =	strace $0x80000048  }
0xb4: {  	_ =	swait.ge [sflag:s29], $0x1  }
0xb5: {  	[sflag:s29] =	ssyncadd.s32 $0xFFFFFFFF  }
0xb6: {  	_ =	strace $0x90000048  }
0xb7: {  	_ =	sfence  }
0xb8: {  	s30 =	sld [smem:$0x0];
	_ =	sdelay $0x2  }
0xb9: {  	s31 =	sshll.u32 s1, $0xD;
	s1 =	sshrl.u32 s1, $0x2  }
0xba: {  	s3 =	sand.u32 $0x4000, s31;
	s1 =	sadd.s32 s1, s30  }
0xbb: {  	s0 =	sor.u32 s3, s0;
	s1 =	sshll.u32 s1, $0x11  }
0xbc: {  	s0 =	sor.u32 s1, s0  }
0xbd: {  	s0 =	sadd.s32 $0x8F2B, s0  }
0xbe: {  	[sflag:s0] =	ssyncadd.remote.s32 $0x1  }
0xbf: {  	_ =	sfence.sel $0xFFFF  }
0xc0: {  	[dreg:$0x0] =	wrdreg $0xFFFFFFFF;
	(pc) =	sbr.abs _section_cstart, $3  }
0xc1: {  	[dreg:$0x1] =	wrdreg $0xFFFFFFFF  }
0xc2: {  	_ =	task.clear_ibuf [dreg:s7], $0x2FFFF;
	_ =	strace $0x9FFFFFFF  }
0xc3: {  	(tm) =	ssettm $0x7FFFFFFF  }
tec
execute0_lowered:
.L_overlay_start_1:
0x0: {  	(tag) =	ssettag $0x1  }
0x1: {  	s0 =	srdreg.scid  }
0x2: {  	s1 =	rddreg [dreg:$0x0];
	s30 =	stileid.u32  }
0x3: {  	s5 =	rddreg [dreg:$0x1];
	s10 =	smul.u32 $0x14000, s30  }
0x4: {  	s3 =	rddreg [dreg:$0x2];
	s21 =	smul.u32 $0x50000, s30  }
0x5: {  	s4 =	simm.s32 $0x0;
	s8 =	sand.u32 $0x1, s0;
	s18 =	smul.u32 $0x2700, s30  }
0x6: {  	[smem:$0x7FF] =	sst s4;
	s13 =	sadd.s32 $0x1000, s5;
	s31 =	smul.u32 $0x140000, s8  }
0x7: {  	s23 =	sshll.u32 s30, $0x6;
	s2 =	sshll.u32 s8, $0x4;
	s16 =	smul.u32 $0x27000, s8  }
0x8: {  	_ =	strace $0x80000047;
	s19 =	ssub.s32 $0x2, s8;
	s24 =	smul.u32 $0x4E0, s8  }
0x9: {  	s6 =	sor.u32 s30, s2;
	s14 =	sshrl.u32 s10, $0x3;
	s20 =	sshrl.u32 s19, $0x1  }
0xa: {  	s22 =	sshrl.u32 s21, $0x2;
	s7 =	smul.u32 $0x4E, s6;
	s9 =	smin.u32 s6, $0x4  }
0xb: {  	s2 =	sadd.s32 s14, s5;
	s14 =	ssub.s32 s19, s20;
	p0 =	slt.u32 s6, $0x4  }
0xc: {  	s17 =	sadd.s32 s22, s3;
	s19 =	smul.u32 $0x4E, s30;
	s16 =	sadd.s32 s18, s16  }
0xd: {  	s20 =	simm.s32 $0x0;
	s6 =	sadd.s32 $0x14E00, s2;
	s25 =	sshll.u32 s9, $0x7  }
0xe: {  	s7 =	sadd.s32 s9, s7;
	s26 =	sadd.s32 s25, s16;
	s16 =	simm.s32 $0x5  }
0xf: {  	s11 =	sshll.u32 s7, $0x4;
	s7 =	sadd.s32 s10, s31;
	s10 =	sor.u32 s24, s9  }
0x10: {  	s12 =	sadd.s32 s11, s5;
	s7 =	sshrl.u32 s7, $0x3;
	s9 =	sadd.s32 s13, s11  }
0x11: {  	s28 =	sadd.s32 s19, s10;
	s19 =	simm.s32 $0x2900;
	s15 =	sadd.s32 s7, s5  }
0x12: {  	s5 =	simm.s32 $0x4D;
	s7 =	sor.u32 $0x1C05, s23;
	s8 =	sadd.s32 $0xAE00, s12  }
0x13: {  	s12 =	sadd.s32 $0x180, s26;
	s10 =	sadd.s32 $0x10, s9;
	s29 =	sshll.u32 s28, $0x4  }
0x14: {  	s5 =	simm.s32 @!p0 $0x4C;
	s12 =	sshrl.u32 s12, $0x3;
	s11 =	sadd.s32 $0x3CE00, s15  }
0x15: {  	s30 =	sadd.s32 s29, s13;
	s15 =	sshrl.u32 s17, $0x3;
	s31 =	sadd.s32 s12, s13  }
0x16: {  	s12 =	smax.u32 s14, $0x1;
	s13 =	sadd.s32 $0x20, s30;
	s14 =	ssub.s32 $0x10, s31  }
.LBB2_1:
0x17: {  	[spmem:s15], [sflag:s7] =	dma.local [hbm:s6], $0x2800  }
0x18: {  	_ =	swait.ge [sflag:s16], $0x2800  }
0x19: {  	[sflag:s16] =	ssyncset.done $0x0  }
0x1a: {  	[sflag:s16] =	ssyncadd.s32 $0xFFFFD800  }
0x1b: {  	[tilespmem:s4], [sflag:$0x5] =	stream.linear.gather [hbm4b:s8+s4], $0x2800, $0x38;
	[tilespmem:$0x1E900] =	vst v63  }
0x1c: {  	_ =	swait.ge [sflag:s16], $0x2800  }
0x1d: {  	[sflag:s16] =	ssyncset.done $0x0  }
0x1e: {  	[sflag:s16] =	ssyncadd.s32 $0xFFFFD800  }
0x1f: {  	s0 =	simm.s32 $0x2800;
	p0 =	sne.s32 s5, $0x1;
	[bflag:$0x0] =	sbarrier.arrive $0xFFFF  }
0x20: {  	[tilespmem:s0], [sflag:$0x3] =	stream.linear.gather [hbm4b:s9+s4], $0x80, $0x38;
	[tilespmem:$0x1E900] =	vst v63  }
.Ltmp0:
0x21: {  	_ = 	snop;
	(pc) =	sbr.rel @!p0 .LBB2_2-.Ltmp0, $4  }
0x22: {  	s31 =	simm.s32 $0x2880;
	s21 =	simm.s32 $0x80  }
0x23: {  	[tilespmem:s31], [sflag:$0x4] =	stream.linear.gather [hbm4b:s10+s4], $0x80, $0x38;
	[tilespmem:$0x1E900] =	vst v63  }
0x24: {  	s23 =	simm.s32 $0x1;
	s30 =	sand.u32 $0x1, s4;
	p2 =	por $0x0, $0x0  }
0x25: {  	[tilespmem:s19], [sflag:$0x1] =	stream.indirect.gather [hbm4b:s1+s21], $0x80, s4, s21, $0xb8;
	[tilespmem:$0x1E900] =	vst v63  }
0x26: {  	p1 =	seq.s32 s30, $0x1  }
0x27: {  	s22 =	simm.s32 @!p1 $0x1  }
0x28: {  	_ =	swait.ge @!p1 [sflag:s22], $0x4000  }
0x29: {  	p3 =	seq.s32 s30, $0x0;
	p0 =	por p1, p1;
	[sflag:s22] =	ssyncset.done @!p1 $0x0  }
0x2a: {  	[sflag:s22] =	ssyncadd.s32 @!p0 $0xFFFFC000;
	s22 =	simm.s32 @!p3 $0x2  }
0x2b: {  	_ =	swait.ge @!p3 [sflag:s22], $0x4000  }
0x2c: {  	p2 =	sne.s32 s30, $0x0;
	[sflag:s22] =	ssyncset.done @!p3 $0x0  }
0x2d: {  	s24 =	simm.s32 @!p2 $0x6900;
	[sflag:s22] =	ssyncadd.s32 @!p3 $0xFFFFC000;
	s22 =	simm.s32 @!p2 $0x80  }
0x2e: {  	[tilespmem:s24], [sflag:$0x2] =	stream.indirect.gather @!p2 [hbm4b:s1+s22], $0x80, s21, s22, $0xb8;
	[tilespmem:$0x1E900] =	vst v63  }
0x2f: {  	s26 =	simm.s32 @!p2 $0x3;
	s25 =	simm.s32 @p0 $0x2900;
	s24 =	simm.s32 @p0 $0x80  }
0x30: {  	[tilespmem:s25], [sflag:$0x1] =	stream.indirect.gather @p0 [hbm4b:s1+s24], $0x80, s21, s24, $0xb8;
	[tilespmem:$0x1E900] =	vst v63  }
0x31: {  	_ =	swait.ge @!p2 [sflag:s26], $0x80  }
0x32: {  	s28 =	simm.s32 @!p2 $0x5;
	[sflag:s26] =	ssyncset.done @!p2 $0x0  }
0x33: {  	s25 =	simm.s32 @!p2 $0x2800;
	[sflag:s26] =	ssyncadd.s32 @!p2 $0xFFFFFF80;
	s26 =	simm.s32 @!p2 $0x2900  }
0x34: {  	[spmem:s3] =	stream.indirect.scatter.add.f32 @!p2 [tilespmem:s26], [sflag:$0x5], $0x80, s25, s22, $0xb8;
	[tilespmem:$0x1E900] =	vst v63  }
0x35: {  	_ =	swait.ge @!p2 [sflag:s28], $0x4000  }
0x36: {  	[sflag:s28] =	ssyncset.done @!p2 $0x0  }
0x37: {  	s22 =	simm.s32 @p0 $0x4;
	[sflag:s28] =	ssyncadd.s32 @!p2 $0xFFFFC000  }
0x38: {  	s30 =	sand.u32 $0x1, s23;
	_ =	swait.ge @p0 [sflag:s22], $0x80  }
0x39: {  	s31 =	simm.s32 @p0 $0x2880;
	p3 =	sne.s32 s5, $0x2;
	[sflag:s22] =	ssyncset.done @p0 $0x0  }
0x3a: {  	s26 =	simm.s32 @p0 $0x5;
	[sflag:s22] =	ssyncadd.s32 @p0 $0xFFFFFF80;
	s22 =	simm.s32 @p0 $0x6900  }
0x3b: {  	[spmem:s3] =	stream.indirect.scatter.add.f32 @p0 [tilespmem:s22], [sflag:$0x5], $0x80, s31, s24, $0xb8;
	[tilespmem:$0x1E900] =	vst v63  }
.Ltmp1:
0x3c: {  	s29 =	smov.u32 s13;
	_ =	swait.ge @p0 [sflag:s26], $0x4000;
	(pc) =	sbr.rel @!p3 .LBB2_4-.Ltmp1, $4  }
0x3d: {  	s28 =	simm.s32 $0x2;
	s22 =	simm.s32 @!p2 $0x0;
	[sflag:s26] =	ssyncset.done @p0 $0x0  }
0x3e: {  	s24 =	sadd.s32 $0x10, s13;
	[sflag:s26] =	ssyncadd.s32 @p0 $0xFFFFC000;
	s26 =	simm.s32 @p1 $0x0  }
0x3f: {  	[tilespmem:s25], [sflag:$0x3] =	stream.linear.gather @!p2 [hbm4b:s13+s22], $0x80, $0x38;
	[tilespmem:$0x1E900] =	vst v63  }
0x40: {  	s22 =	sadd.s32 $0xFFFFFFF0, s14;
	p2 =	por $0x1, $0x1;
	s25 =	simm.s32 $0x80  }
.LBB2_5:
0x41: {  	p3 =	seq.s32 s30, $0x1  }
0x42: {  	s25 =	sadd.s32 $0x80, s25;
	s23 =	smov.u32 s28;
	s28 =	sadd.s32 $0x1, s28  }
0x43: {  	p1 =	sne.s32 s5, s28;
	s2 =	simm.s32 @!p3 $0x1;
	s0 =	simm.s32 @p3 $0x0  }
0x44: {  	[tilespmem:s31], [sflag:$0x4] =	stream.linear.gather @p0 [hbm4b:s29+s26], $0x80, $0x38;
	[tilespmem:$0x1E900] =	vst v63  }
0x45: {  	s26 =	smov.u32 s0;
	s29 =	smov.u32 s24;
	_ =	swait.ge @!p3 [sflag:s2], $0x4000  }
0x46: {  	p4 =	seq.s32 s30, $0x0;
	p0 =	por p3, p3;
	[sflag:s2] =	ssyncset.done @!p3 $0x0  }
0x47: {  	s0 =	simm.s32 @!p4 $0x2;
	[sflag:s2] =	ssyncadd.s32 @!p0 $0xFFFFC000  }
0x48: {  	_ =	swait.ge @!p4 [sflag:s0], $0x4000  }
0x49: {  	p3 =	sne.s32 s30, $0x0;
	[sflag:s0] =	ssyncset.done @!p4 $0x0  }
0x4a: {  	s2 =	simm.s32 @!p3 $0x6900;
	[sflag:s0] =	ssyncadd.s32 @!p4 $0xFFFFC000;
	s0 =	simm.s32 @!p3 $0x80  }
0x4b: {  	[tilespmem:s2], [sflag:$0x2] =	stream.indirect.gather @!p3 [hbm4b:s1+s0], $0x80, s25, s0, $0xb8;
	[tilespmem:$0x1E900] =	vst v63  }
0x4c: {  	s30 =	simm.s32 @p0 $0x2900;
	s31 =	simm.s32 @!p3 $0x3;
	s2 =	simm.s32 @p0 $0x80  }
0x4d: {  	[tilespmem:s30], [sflag:$0x1] =	stream.indirect.gather @p0 [hbm4b:s1+s2], $0x80, s25, s2, $0xb8;
	[tilespmem:$0x1E900] =	vst v63  }
0x4e: {  	_ =	swait.ge @!p3 [sflag:s31], $0x80  }
0x4f: {  	s17 =	simm.s32 @!p3 $0x2800;
	[sflag:s31] =	ssyncset.done @!p3 $0x0  }
0x50: {  	s30 =	simm.s32 @!p3 $0x2900;
	[sflag:s31] =	ssyncadd.s32 @!p3 $0xFFFFFF80;
	s31 =	simm.s32 @!p3 $0x5  }
0x51: {  	[spmem:s3] =	stream.indirect.scatter.add.f32 @!p3 [tilespmem:s30], [sflag:$0x5], $0x80, s17, s0, $0xb8;
	[tilespmem:$0x1E900] =	vst v63  }
0x52: {  	_ =	swait.ge @!p3 [sflag:s31], $0x4000  }
0x53: {  	[sflag:s31] =	ssyncset.done @!p3 $0x0  }
0x54: {  	s0 =	simm.s32 @p0 $0x4;
	[sflag:s31] =	ssyncadd.s32 @!p3 $0xFFFFC000  }
0x55: {  	_ =	swait.ge @p0 [sflag:s0], $0x80  }
0x56: {  	s18 =	simm.s32 @p0 $0x5;
	[sflag:s0] =	ssyncset.done @p0 $0x0  }
0x57: {  	s31 =	simm.s32 @p0 $0x2880;
	[sflag:s0] =	ssyncadd.s32 @p0 $0xFFFFFF80;
	s0 =	simm.s32 @p0 $0x6900  }
0x58: {  	[spmem:s3] =	stream.indirect.scatter.add.f32 @p0 [tilespmem:s0], [sflag:$0x5], $0x80, s31, s2, $0xb8;
	[tilespmem:$0x1E900] =	vst v63  }
.Ltmp2:
0x59: {  	_ = 	snop;
	(pc) =	sbr.rel @p1 .LBB2_5-.Ltmp2, $4  }
0x5a: {  	_ =	swait.ge @p0 [sflag:s18], $0x4000  }
0x5b: {  	s22 =	sadd.s32 $0xFFFFFFF0, s22;
	s24 =	sadd.s32 $0x10, s24;
	[sflag:s18] =	ssyncset.done @p0 $0x0  }
0x5c: {  	s30 =	sand.u32 $0x1, s23;
	s0 =	simm.s32 @!p3 $0x0;
	[sflag:s18] =	ssyncadd.s32 @p0 $0xFFFFC000  }
0x5d: {  	[tilespmem:s17], [sflag:$0x3] =	stream.linear.gather @!p3 [hbm4b:s29+s0], $0x80, $0x38;
	[tilespmem:$0x1E900] =	vst v63  }
0x5e: {  	s23 =	smov.u32 s28  }
.LBB2_7:
0x5f: {  	p1 =	seq.s32 s30, $0x1  }
0x60: {  	p0 =	por !p0, !p2;
	s0 =	simm.s32 @!p1 $0x1  }
0x61: {  	[tilespmem:s31], [sflag:$0x4] =	stream.linear.gather @!p0 [hbm4b:s29+s26], $0x80, $0x38;
	[tilespmem:$0x1E900] =	vst v63  }
0x62: {  	_ =	swait.ge @!p1 [sflag:s0], $0x4000  }
0x63: {  	p4 =	seq.s32 s30, $0x0;
	p0 =	por p1, p1;
	[sflag:s0] =	ssyncset.done @!p1 $0x0  }
0x64: {  	[sflag:s0] =	ssyncadd.s32 @!p0 $0xFFFFC000;
	s0 =	simm.s32 @!p4 $0x2  }
0x65: {  	p3 =	sne.s32 s30, $0x0;
	_ =	swait.ge @!p4 [sflag:s0], $0x4000  }
0x66: {  	s2 =	sadd.s32 @p2 $0x80, s25;
	s17 =	simm.s32 @!p3 $0x6900;
	[sflag:s0] =	ssyncset.done @!p4 $0x0  }
0x67: {  	s21 =	smov.u32 @p2 s2;
	[sflag:s0] =	ssyncadd.s32 @!p4 $0xFFFFC000;
	s0 =	simm.s32 @!p3 $0x80  }
0x68: {  	[tilespmem:s17], [sflag:$0x2] =	stream.indirect.gather @!p3 [hbm4b:s1+s0], $0x80, s21, s0, $0xb8;
	[tilespmem:$0x1E900] =	vst v63  }
0x69: {  	s25 =	simm.s32 @p0 $0x80;
	s2 =	simm.s32 @p0 $0x2900;
	s17 =	simm.s32 @!p3 $0x3  }
0x6a: {  	[tilespmem:s2], [sflag:$0x1] =	stream.indirect.gather @p0 [hbm4b:s1+s25], $0x80, s21, s25, $0xb8;
	[tilespmem:$0x1E900] =	vst v63  }
0x6b: {  	_ =	swait.ge @!p3 [sflag:s17], $0x80  }
0x6c: {  	s18 =	simm.s32 @!p3 $0x2800;
	[sflag:s17] =	ssyncset.done @!p3 $0x0  }
0x6d: {  	s26 =	simm.s32 @!p3 $0x5;
	[sflag:s17] =	ssyncadd.s32 @!p3 $0xFFFFFF80;
	s17 =	simm.s32 @!p3 $0x2900  }
0x6e: {  	[spmem:s3] =	stream.indirect.scatter.add.f32 @!p3 [tilespmem:s17], [sflag:$0x5], $0x80, s18, s0, $0xb8;
	[tilespmem:$0x1E900] =	vst v63  }
0x6f: {  	_ =	swait.ge @!p3 [sflag:s26], $0x4000  }
0x70: {  	[sflag:s26] =	ssyncset.done @!p3 $0x0  }
0x71: {  	s28 =	simm.s32 @p0 $0x4;
	[sflag:s26] =	ssyncadd.s32 @!p3 $0xFFFFC000  }
0x72: {  	_ =	swait.ge @p0 [sflag:s28], $0x80  }
0x73: {  	s29 =	simm.s32 @p0 $0x2880;
	[sflag:s28] =	ssyncset.done @p0 $0x0  }
0x74: {  	s30 =	simm.s32 @p0 $0x6900;
	s26 =	simm.s32 @p0 $0x5;
	[sflag:s28] =	ssyncadd.s32 @p0 $0xFFFFFF80  }
0x75: {  	[spmem:s3] =	stream.indirect.scatter.add.f32 @p0 [tilespmem:s30], [sflag:$0x5], $0x80, s29, s25, $0xb8;
	[tilespmem:$0x1E900] =	vst v63  }
0x76: {  	_ =	swait.ge @p0 [sflag:s26], $0x4000  }
0x77: {  	[sflag:s26] =	ssyncset.done @p0 $0x0  }
0x78: {  	s0 =	simm.s32 @!p3 $0x0;
	[sflag:s26] =	ssyncadd.s32 @p0 $0xFFFFC000  }
0x79: {  	[tilespmem:s18], [sflag:$0x3] =	stream.linear.gather @!p3 [hbm4b:s24+s0], $0x80, $0x38;
	[tilespmem:$0x1E900] =	vst v63  }
0x7a: {  	s0 =	simm.s32 @p1 $0x0  }
0x7b: {  	[tilespmem:s29], [sflag:$0x4] =	stream.linear.gather @p0 [hbm4b:s24+s0], $0x80, $0x38;
	[tilespmem:$0x1E900] =	vst v63  }
0x7c: {  	s0 =	simm.s32 @p1 $0x1  }
0x7d: {  	s31 =	sand.u32 $0x1, s23;
	_ =	swait.ge @p1 [sflag:s0], $0x4000  }
0x7e: {  	p2 =	seq.s32 s31, $0x0;
	[sflag:s0] =	ssyncset.done @p1 $0x0  }
0x7f: {  	[sflag:s0] =	ssyncadd.s32 @p1 $0xFFFFC000;
	s0 =	simm.s32 @!p2 $0x2  }
0x80: {  	_ =	swait.ge @!p2 [sflag:s0], $0x4000  }
0x81: {  	[sflag:s0] =	ssyncset.done @!p2 $0x0  }
0x82: {  	s18 =	sadd.s32 $0x80, s21;
	p0 =	seq.s32 s31, $0x1;
	[sflag:s0] =	ssyncadd.s32 @!p2 $0xFFFFC000  }
0x83: {  	[tilespmem:s30], [sflag:$0x2] =	stream.indirect.gather @p1 [hbm4b:s1+s25], $0x80, s18, s25, $0xb8;
	[tilespmem:$0x1E900] =	vst v63  }
0x84: {  	s17 =	simm.s32 @p0 $0x2900;
	s0 =	simm.s32 @p0 $0x80  }
0x85: {  	[tilespmem:s17], [sflag:$0x1] =	stream.indirect.gather @p0 [hbm4b:s1+s0], $0x80, s18, s0, $0xb8;
	[tilespmem:$0x1E900] =	vst v63  }
0x86: {  	s18 =	simm.s32 @p1 $0x3  }
0x87: {  	_ =	swait.ge @p1 [sflag:s18], $0x80  }
0x88: {  	[sflag:s18] =	ssyncset.done @p1 $0x0  }
0x89: {  	[sflag:s18] =	ssyncadd.s32 @p1 $0xFFFFFF80;
	s18 =	simm.s32 @p1 $0x2800  }
0x8a: {  	[spmem:s3] =	stream.indirect.scatter.add.f32 @p1 [tilespmem:s2], [sflag:$0x5], $0x80, s18, s25, $0xb8;
	[tilespmem:$0x1E900] =	vst v63  }
0x8b: {  	_ =	swait.ge @p1 [sflag:s26], $0x4000  }
0x8c: {  	[sflag:s26] =	ssyncset.done @p1 $0x0  }
0x8d: {  	s2 =	simm.s32 @p0 $0x4;
	[sflag:s26] =	ssyncadd.s32 @p1 $0xFFFFC000  }
0x8e: {  	_ =	swait.ge @p0 [sflag:s2], $0x80  }
0x8f: {  	p5 =	slt.u32 s23, s5;
	[sflag:s2] =	ssyncset.done @p0 $0x0  }
0x90: {  	s18 =	simm.s32 @p0 $0x6900;
	[sflag:s2] =	ssyncadd.s32 @p0 $0xFFFFFF80;
	s2 =	simm.s32 @p0 $0x2880  }
0x91: {  	[spmem:s3] =	stream.indirect.scatter.add.f32 @p0 [tilespmem:s18], [sflag:$0x5], $0x80, s2, s0, $0xb8;
	[tilespmem:$0x1E900] =	vst v63  }
0x92: {  	p6 =	por !p5, !p1;
	p3 =	por !p5, !p0;
	s2 =	simm.s32 @p0 $0x5  }
0x93: {  	p3 =	por !p3, !p3;
	p2 =	por !p6, !p6;
	_ =	swait.ge @p0 [sflag:s2], $0x4000  }
0x94: {  	s23 =	simm.s32 @p2 $0x2800;
	s18 =	sadd.s32 $0xFFFFFFF0, s22;
	[sflag:s2] =	ssyncset.done @p0 $0x0  }
0x95: {  	s22 =	simm.s32 @p2 $0x0;
	s21 =	ssub.s32 @p2 $0x0, s18;
	[sflag:s2] =	ssyncadd.s32 @p0 $0xFFFFC000  }
0x96: {  	[tilespmem:s23], [sflag:$0x3] =	stream.linear.gather @p2 [hbm4b:s21+s22], $0x80, $0x38;
	[tilespmem:$0x1E900] =	vst v63  }
0x97: {  	s18 =	ssub.s32 @p3 $0x0, s18;
	s21 =	simm.s32 @p3 $0x0;
	s22 =	simm.s32 @p3 $0x2880  }
0x98: {  	[tilespmem:s22], [sflag:$0x4] =	stream.linear.gather @p3 [hbm4b:s18+s21], $0x80, $0x38;
	[tilespmem:$0x1E900] =	vst v63  }
0x99: {  	s18 =	simm.s32 @p0 $0x1  }
0x9a: {  	_ =	swait.ge @p0 [sflag:s18], $0x4000  }
0x9b: {  	[sflag:s18] =	ssyncset.done @p0 $0x0  }
0x9c: {  	[sflag:s18] =	ssyncadd.s32 @p0 $0xFFFFC000;
	s18 =	simm.s32 @p1 $0x2  }
0x9d: {  	_ =	swait.ge @p1 [sflag:s18], $0x4000  }
0x9e: {  	s21 =	simm.s32 @p3 $0x2700;
	[sflag:s18] =	ssyncset.done @p1 $0x0  }
0x9f: {  	s22 =	simm.s32 @p3 $0x6900;
	[sflag:s18] =	ssyncadd.s32 @p1 $0xFFFFC000;
	s18 =	simm.s32 @p3 $0x80  }
0xa0: {  	[tilespmem:s22], [sflag:$0x2] =	stream.indirect.gather @p3 [hbm4b:s1+s18], $0x80, s21, s18, $0xb8;
	[tilespmem:$0x1E900] =	vst v63  }
0xa1: {  	s18 =	simm.s32 @p2 $0x80;
	s21 =	simm.s32 @p2 $0x2700;
	s22 =	simm.s32 @p2 $0x2900  }
0xa2: {  	[tilespmem:s22], [sflag:$0x1] =	stream.indirect.gather @p2 [hbm4b:s1+s18], $0x80, s21, s18, $0xb8;
	[tilespmem:$0x1E900] =	vst v63  }
0xa3: {  	s18 =	simm.s32 @p0 $0x3  }
0xa4: {  	_ =	swait.ge @p0 [sflag:s18], $0x80  }
0xa5: {  	[sflag:s18] =	ssyncset.done @p0 $0x0  }
0xa6: {  	[sflag:s18] =	ssyncadd.s32 @p0 $0xFFFFFF80;
	s18 =	simm.s32 @p0 $0x2800  }
0xa7: {  	[spmem:s3] =	stream.indirect.scatter.add.f32 @p0 [tilespmem:s17], [sflag:$0x5], $0x80, s18, s0, $0xb8;
	[tilespmem:$0x1E900] =	vst v63  }
0xa8: {  	_ =	swait.ge @p0 [sflag:s2], $0x4000  }
0xa9: {  	[sflag:s2] =	ssyncset.done @p0 $0x0  }
0xaa: {  	[sflag:s2] =	ssyncadd.s32 @p0 $0xFFFFC000  }
0xab: {  	_ =	swait.ge @p1 [sflag:s28], $0x80  }
0xac: {  	[sflag:s28] =	ssyncset.done @p1 $0x0  }
0xad: {  	[sflag:s28] =	ssyncadd.s32 @p1 $0xFFFFFF80  }
0xae: {  	[spmem:s3] =	stream.indirect.scatter.add.f32 @p1 [tilespmem:s30], [sflag:$0x5], $0x80, s29, s25, $0xb8;
	[tilespmem:$0x1E900] =	vst v63  }
0xaf: {  	_ =	swait.ge @p1 [sflag:s26], $0x4000  }
0xb0: {  	[sflag:s26] =	ssyncset.done @p1 $0x0  }
0xb1: {  	s20 =	sadd.s32 $0x1, s20;
	[sflag:s26] =	ssyncadd.s32 @p1 $0xFFFFC000  }
0xb2: {  	p0 =	sne.s32 s20, s12;
	[bflag:$0x0] =	sbarrier.arrive $0xFFFF  }
0xb3: {  	[hbm:s11], [sflag:s7] =	dma.local [spmem:s15], $0x2800  }
.Ltmp3:
0xb4: {  	_ = 	snop;
	(pc) =	sbr.rel @p0 .LBB2_1-.Ltmp3, $4  }
.Ltmp4:
0xb5: {  	_ = 	snop;
	(pc) =	sbr.rel @!p0 .LBB2_8-.Ltmp4, $4  }
0xb6: {  	_ =	swait.ge [sflag:s16], $0x2800  }
0xb7: {  	[sflag:s16] =	ssyncset.done $0x0  }
0xb8: {  	[sflag:s16] =	ssyncadd.s32 $0xFFFFD800  }
0xb9: {  	_ = 	snop  }
.LBB2_2:
.Ltmp5:
0xba: {  	(pc) =	sbr.rel .LBB2_7-.Ltmp5, $2  }
0xbb: {  	_ =	sdelay $0x2  }
0xbc: {  	s25 =	simm.s32 $0x80;
	s24 =	smov.u32 s13;
	s22 =	smov.u32 s14  }
.LBB2_4:
.Ltmp6:
0xbd: {  	(pc) =	sbr.rel .LBB2_7-.Ltmp6, $2  }
0xbe: {  	_ =	sdelay $0x2  }
0xbf: {  	s23 =	simm.s32 $0x2;
	s25 =	simm.s32 $0x80;
	s29 =	smov.u32 s13  }
.LBB2_8:
0xc0: {  	_ =	sfence.sel $0x180000  }
0xc1: {  	[bflag:$0x0] =	sbarrier.arrive $0xFFFF  }
0xc2: {  	_ =	strace $0x90000047  }
0xc3: {  	s0 =	stileid.u32;
	[bflag:$0x2] =	sbarrier.arrive $0xFFFF  }
0xc4: {  	p0 =	sne.s32 s0, $0x0;
	s0 =	rddreg [dreg:$0x3]  }
0xc5: {  	s0 =	sadd.s32 @!p0 $0x100000, s0  }
0xc6: {  	[sflag:s0] =	ssyncadd.tile.s32 @!p0 $0x1;
	_ =	shalt  }
.Lfunc_end2:
_tile_overlayer_lowered:
.L_overlay_start_2:
0xc7: {  	(tag) =	ssettag $0x2  }
0xc8: {  	s0 =	rddreg [dreg:$0x0];
	s2 =	stileid.u32  }
0xc9: {  	s1 =	rddreg [dreg:$0x1];
	p0 =	sne.s32 s2, $0x0  }
0xca: {  	s3 =	rddreg [dreg:$0x2];
	[bflag:$0x3] =	sbarrier.arrive $0xFFFF;
	s2 =	simm.s32 @!p0 $0x1C05  }
0xcb: {  	[timem:s3], [sflag:s2] =	dma.local @!p0 [hbm:s0], s1  }
0xcc: {  	s0 =	simm.s32 @!p0 $0x5  }
0xcd: {  	_ =	swait.ge @!p0 [sflag:s0], s1  }
0xce: {  	s1 =	ssub.s32 @!p0 $0x0, s1;
	[sflag:s0] =	ssyncset.done @!p0 $0x0  }
0xcf: {  	[sflag:s0] =	ssyncadd.s32 @!p0 s1  }
0xd0: {  	[bflag:$0x3] =	sbarrier.arrive $0xFFFF  }
0xd1: {  	_ =	shalt  }

</sc_bundles>
